<compile_context>
chip_gen: v7x
topology: tpu7x:2x2x1
jax: 0.10.2.dev20260603
libtpu: 0.0.44.dev20260713+nightly
codegen_flags: <defaults>
</compile_context>

<pallas_src>
import functools

import jax
import jax.numpy as jnp
from jax import lax
from jax.experimental import pallas as pl
from jax.experimental.pallas import tpu as pltpu
from jax.experimental.pallas import tpu_sc as plsc

E = 8
TOP_K = 2
D = 1024
DFF = 1024
SH_DFF = 2048
T = 2048
A = T * TOP_K

TILE = 256
NT = A // TILE + E
NPAD = NT * TILE

BT = 256

_DEF = jax.lax.Precision.DEFAULT
_F32 = jnp.float32


def _excl_cumsum_rows(o, cb=256):
    n = o.shape[0]
    ii = lax.broadcasted_iota(jnp.int32, (cb, cb), 0)
    jj = lax.broadcasted_iota(jnp.int32, (cb, cb), 1)
    slt = (jj < ii).astype(_F32)
    out = []
    carry = jnp.zeros((1, o.shape[1]), _F32)
    for b in range(n // cb):
        ob = o[b * cb:(b + 1) * cb]
        out.append(jax.lax.dot_general(slt, ob, (((1,), (0,)), ((), ())),
                                       preferred_element_type=_F32,
                                       precision=_DEF) + carry)
        carry = carry + jnp.sum(ob, axis=0, keepdims=True)
    return jnp.concatenate(out, axis=0)


def _router_body(x_ref, gwt_ref, w_ref, pos_ref, te_ref, tv_ref,
                 tn_ref, slot_ref, nxte_ref, pf_ref, fi_ref, pi_ref):
    x = x_ref[...]
    logits = jax.lax.dot_general(
        x, gwt_ref[...], (((1,), (0,)), ((), ())),
        preferred_element_type=_F32, precision=_DEF)
    m = jnp.max(logits, axis=-1, keepdims=True)
    p = jnp.exp(logits - m)
    scores = p / jnp.sum(p, axis=-1, keepdims=True)

    lane = lax.broadcasted_iota(jnp.int32, (T, E), 1)
    s1 = jnp.max(scores, axis=-1, keepdims=True)
    i1 = jnp.min(jnp.where(scores == s1, lane, E), axis=-1, keepdims=True)
    mask1 = lane == i1
    rest = jnp.where(mask1, -jnp.inf, scores)
    s2 = jnp.max(rest, axis=-1, keepdims=True)
    i2 = jnp.min(jnp.where(rest == s2, lane, E), axis=-1, keepdims=True)
    mask2 = lane == i2

    o1 = mask1.astype(_F32)
    o2 = mask2.astype(_F32)
    c1 = jnp.sum(o1, axis=0, keepdims=True)
    counts = c1 + jnp.sum(o2, axis=0, keepdims=True)

    fi_ref[...] = counts * (float(E) / float(A))
    pi_ref[...] = jnp.mean(scores, axis=0, keepdims=True)
    w_ref[...] = jnp.concatenate([s1, s2], axis=1)

    ptiles = jnp.floor((counts + (TILE - 1)) * (1.0 / TILE))
    ei = lax.broadcasted_iota(jnp.int32, (E, E), 0)
    ej = lax.broadcasted_iota(jnp.int32, (E, E), 1)
    sltE = (ei < ej).astype(_F32)
    tile_start = jax.lax.dot_general(ptiles, sltE, (((1,), (0,)), ((), ())),
                                     preferred_element_type=_F32,
                                     precision=_DEF)
    alignoff = tile_start * float(TILE)
    total_tiles = jnp.sum(ptiles, axis=1, keepdims=True)

    rank1 = _excl_cumsum_rows(o1)
    rank2 = _excl_cumsum_rows(o2) + c1
    pos1 = jnp.sum(o1 * (alignoff + rank1), axis=1, keepdims=True)
    pos2 = jnp.sum(o2 * (alignoff + rank2), axis=1, keepdims=True)
    pos_ref[...] = jnp.concatenate([pos1, pos2], axis=1).astype(jnp.int32)

    ti = lax.broadcasted_iota(jnp.int32, (NT, E), 0).astype(_F32)
    ts_b = jnp.broadcast_to(tile_start, (NT, E))
    te = jnp.sum((ti >= ts_b).astype(_F32), axis=1, keepdims=True) - 1.0
    te = jnp.clip(te, 0.0, float(E - 1))
    te_ref[...] = te.astype(jnp.int32)
    tvi = lax.broadcasted_iota(jnp.int32, (NT, 1), 0).astype(_F32)
    tv = (tvi < total_tiles).astype(_F32)
    tv_ref[...] = tv.astype(jnp.int32)

    te_prev = jnp.concatenate([-jnp.ones((1, 1), _F32), te[:-1]], axis=0)
    tn = (te != te_prev).astype(_F32) * tv
    ri = lax.broadcasted_iota(jnp.int32, (NT, NT), 0)
    rj = lax.broadcasted_iota(jnp.int32, (NT, NT), 1)
    incl = (rj <= ri).astype(_F32)
    run_idx = jax.lax.dot_general(incl, tn, (((1,), (0,)), ((), ())),
                                  preferred_element_type=_F32,
                                  precision=_DEF)
    m = run_idx - 1.0
    slot = m - 2.0 * jnp.floor(m * 0.5)
    slot_ref[...] = slot.astype(jnp.int32)
    nxs = jnp.min(jnp.where(ts_b > ti, ts_b, float(NT)), axis=1,
                  keepdims=True)
    hasnext = (nxs < total_tiles).astype(_F32)
    nxte = jnp.sum((ts_b <= jnp.broadcast_to(nxs, (NT, E))).astype(_F32),
                   axis=1, keepdims=True) - 1.0
    nxte_ref[...] = jnp.clip(nxte, 0.0, float(E - 1)).astype(jnp.int32)
    tn_ref[...] = tn.astype(jnp.int32)
    pf_ref[...] = (tn * hasnext).astype(jnp.int32)


_BF16 = jnp.bfloat16


def _precast_body(eg_ref, eu_ref, ed_ref, sg_ref, su_ref, sd_ref,
                  ego_ref, euo_ref, edo_ref, sgo_ref, suo_ref, sdo_ref):
    ego_ref[...] = eg_ref[...].astype(_BF16)
    euo_ref[...] = eu_ref[...].astype(_BF16)
    edo_ref[...] = ed_ref[...].astype(_BF16)
    sgo_ref[...] = sg_ref[...].astype(_BF16)
    suo_ref[...] = su_ref[...].astype(_BF16)
    sdo_ref[...] = sd_ref[...].astype(_BF16)


def _grouped_body(te_ref, tv_ref, tn_ref, slot_ref, nxte_ref, pf_ref,
                  xg_ref, gwh_ref, uwh_ref, dwh_ref, dep_ref, out_ref,
                  gw_v, uw_v, dw_v, gsem, usem, dsem):
    del dep_ref
    i = pl.program_id(0)
    slot = slot_ref[i]

    @pl.when(i == 0)
    def _():
        e = te_ref[0]
        c1 = pltpu.make_async_copy(gwh_ref.at[e], gw_v.at[0], gsem.at[0])
        c2 = pltpu.make_async_copy(uwh_ref.at[e], uw_v.at[0], usem.at[0])
        c3 = pltpu.make_async_copy(dwh_ref.at[e], dw_v.at[0], dsem.at[0])
        c1.start(); c2.start(); c3.start()
        c1.wait(); c2.wait(); c3.wait()

    @pl.when((i > 0) & (tn_ref[i] == 1) & (tv_ref[i] == 1))
    def _():
        e = te_ref[i]
        pltpu.make_async_copy(gwh_ref.at[e], gw_v.at[slot],
                              gsem.at[slot]).wait()
        pltpu.make_async_copy(uwh_ref.at[e], uw_v.at[slot],
                              usem.at[slot]).wait()
        pltpu.make_async_copy(dwh_ref.at[e], dw_v.at[slot],
                              dsem.at[slot]).wait()

    @pl.when(pf_ref[i] == 1)
    def _():
        ne = nxte_ref[i]
        other = 1 - slot
        pltpu.make_async_copy(gwh_ref.at[ne], gw_v.at[other],
                              gsem.at[other]).start()
        pltpu.make_async_copy(uwh_ref.at[ne], uw_v.at[other],
                              usem.at[other]).start()
        pltpu.make_async_copy(dwh_ref.at[ne], dw_v.at[other],
                              dsem.at[other]).start()

    @pl.when(tv_ref[i] == 1)
    def _():
        xg = xg_ref[...]
        dims = (((1,), (1,)), ((), ()))
        g = jax.lax.dot_general(xg, gw_v[slot], dims,
                                preferred_element_type=_F32, precision=_DEF)
        u = jax.lax.dot_general(xg, uw_v[slot], dims,
                                preferred_element_type=_F32, precision=_DEF)
        act = g * jax.nn.sigmoid(g) * u
        out_ref[...] = jax.lax.dot_general(act, dw_v[slot], dims,
                                           preferred_element_type=_F32,
                                           precision=_DEF)


def _shared_body(x_ref, sg_ref, su_ref, sd_ref, y_ref, sgb, sub, sdb):
    t = pl.program_id(0)

    @pl.when(t == 0)
    def _():
        sgb[...] = sg_ref[...].astype(_BF16)
        sub[...] = su_ref[...].astype(_BF16)
        sdb[...] = sd_ref[...].astype(_BF16)

    x = x_ref[...].astype(_BF16)
    dims = (((1,), (1,)), ((), ()))
    g = jax.lax.dot_general(x, sgb[...], dims,
                            preferred_element_type=_F32, precision=_DEF)
    u = jax.lax.dot_general(x, sub[...], dims,
                            preferred_element_type=_F32, precision=_DEF)
    act = (g * jax.nn.sigmoid(g) * u).astype(_BF16)
    y_ref[...] = jax.lax.dot_general(act, sdb[...], dims,
                                     preferred_element_type=_F32,
                                     precision=_DEF)


def _combine_body(eg1_ref, eg2_ref, w_ref, ysha_ref, yshb_ref, y_ref):
    t = pl.program_id(0)
    w1 = w_ref[:, 0]
    w2 = w_ref[:, 1]
    nh = T // 2 // BT
    ysh = jnp.where(t < nh, ysha_ref[...], yshb_ref[...])
    y_ref[...] = (w1[:, None] * eg1_ref[0] + w2[:, None] * eg2_ref[0]
                  + ysh)


def _sc_mesh():
    return plsc.VectorSubcoreMesh(core_axis_name="c", subcore_axis_name="s")


_NW = 32
_JPW = A // _NW
_CH = 32
_NCH = _JPW // _CH


def _sc_scatter(x, pos3):

    @functools.partial(
        pl.kernel, mesh=_sc_mesh(),
        out_type=jax.ShapeDtypeStruct((NPAD, D), _F32),
        scratch_types=[pltpu.VMEM((_NCH, _CH), jnp.int32),
                       pltpu.VMEM((_CH, D), _F32),
                       pltpu.VMEM((_CH, D), _F32),
                       pltpu.SemaphoreType.DMA,
                       pltpu.SemaphoreType.DMA,
                       pltpu.SemaphoreType.DMA,
                       pltpu.SemaphoreType.DMA],
    )
    def k(x_hbm, pos_hbm, xg_hbm, idx_v, row0, row1, ld0, ld1, st0, st1):
        wid = lax.axis_index("s") * 2 + lax.axis_index("c")
        base = wid * _JPW
        pltpu.sync_copy(pos_hbm.at[wid], idx_v)
        rows = (row0, row1)
        lds = (ld0, ld1)
        sts = (st0, st1)

        def start_load(c, b):
            pltpu.async_copy(x_hbm.at[pl.ds((base + c * _CH) % T, _CH)],
                             rows[b], lds[b])

        start_load(0, 0)
        start_load(1, 1)

        @pl.loop(0, _NCH, step=2)
        def _(c):
            for b in range(2):
                cc = c + b
                pltpu.make_async_copy(
                    x_hbm.at[pl.ds(0, _CH)], rows[b], lds[b]).wait()
                cp = pltpu.async_copy(rows[b], xg_hbm.at[idx_v.at[cc]],
                                      sts[b])
                cp.wait()

                @pl.when(cc + 2 < _NCH)
                def _():
                    pltpu.async_copy(
                        x_hbm.at[pl.ds((base + (cc + 2) * _CH) % T, _CH)],
                        rows[b], lds[b])

    return k(x, pos3)


def _sc_gather(eout, pos3):

    @functools.partial(
        pl.kernel, mesh=_sc_mesh(),
        out_type=jax.ShapeDtypeStruct((A, D), _F32),
        scratch_types=[pltpu.VMEM((_NCH, _CH), jnp.int32),
                       pltpu.VMEM((_CH, D), _F32),
                       pltpu.VMEM((_CH, D), _F32),
                       pltpu.SemaphoreType.DMA,
                       pltpu.SemaphoreType.DMA,
                       pltpu.SemaphoreType.DMA,
                       pltpu.SemaphoreType.DMA],
    )
    def k(eout_hbm, pos_hbm, eg_hbm, idx_v, row0, row1, ld0, ld1, st0, st1):
        wid = lax.axis_index("s") * 2 + lax.axis_index("c")
        base = wid * _JPW
        pltpu.sync_copy(pos_hbm.at[wid], idx_v)
        rows = (row0, row1)
        lds = (ld0, ld1)
        sts = (st0, st1)

        def start_gather(c, b):
            pltpu.async_copy(eout_hbm.at[idx_v.at[c]], rows[b], lds[b])

        start_gather(0, 0)
        start_gather(1, 1)

        @pl.loop(0, _NCH, step=2)
        def _(c):
            for b in range(2):
                cc = c + b
                pltpu.make_async_copy(
                    eout_hbm.at[pl.ds(0, _CH)], rows[b], lds[b]).wait()
                cp = pltpu.async_copy(
                    rows[b], eg_hbm.at[pl.ds(base + cc * _CH, _CH)], sts[b])
                cp.wait()

                @pl.when(cc + 2 < _NCH)
                def _():
                    start_gather(cc + 2, b)

    return k(eout, pos3)


def kernel(hidden_states, gate_w, expert_gate, expert_up, expert_down,
           shared_gate, shared_up, shared_down):
    b, s, h = hidden_states.shape
    x = hidden_states.reshape(-1, h)

    w2, pos_tk, te, tv, tn, slot, nxte, pf, fi, pi = pl.pallas_call(
        _router_body,
        out_shape=[
            jax.ShapeDtypeStruct((T, TOP_K), _F32),
            jax.ShapeDtypeStruct((T, TOP_K), jnp.int32),
            jax.ShapeDtypeStruct((NT, 1), jnp.int32),
            jax.ShapeDtypeStruct((NT, 1), jnp.int32),
            jax.ShapeDtypeStruct((NT, 1), jnp.int32),
            jax.ShapeDtypeStruct((NT, 1), jnp.int32),
            jax.ShapeDtypeStruct((NT, 1), jnp.int32),
            jax.ShapeDtypeStruct((NT, 1), jnp.int32),
            jax.ShapeDtypeStruct((1, E), _F32),
            jax.ShapeDtypeStruct((1, E), _F32),
        ],
    )(x, gate_w.T)

    pos3 = pos_tk.T.reshape(_NW, _NCH, _CH)
    te_s = te.reshape(NT)
    tv_s = tv.reshape(NT)
    tn_s = tn.reshape(NT)
    slot_s = slot.reshape(NT)
    nxte_s = nxte.reshape(NT)
    pf_s = pf.reshape(NT)


    def _shared_half(off):
        return pl.pallas_call(
            _shared_body,
            grid=(T // 2 // BT,),
            in_specs=[
                pl.BlockSpec((BT, D), lambda t: (t + off, 0)),
                pl.BlockSpec((SH_DFF, D), lambda t: (0, 0)),
                pl.BlockSpec((SH_DFF, D), lambda t: (0, 0)),
                pl.BlockSpec((D, SH_DFF), lambda t: (0, 0)),
            ],
            out_specs=pl.BlockSpec((BT, D), lambda t: (t, 0)),
            out_shape=jax.ShapeDtypeStruct((T // 2, D), _F32),
            scratch_shapes=[
                pltpu.VMEM((SH_DFF, D), _BF16),
                pltpu.VMEM((SH_DFF, D), _BF16),
                pltpu.VMEM((D, SH_DFF), _BF16),
            ],
            compiler_params=pltpu.CompilerParams(
                dimension_semantics=("arbitrary",)),
        )(x, shared_gate, shared_up, shared_down)

    y_sh_a = _shared_half(0)
    xg = _sc_scatter(x, pos3)
    y_sh_b = _shared_half(T // 2 // BT)

    eout = pl.pallas_call(
        _grouped_body,
        grid_spec=pltpu.PrefetchScalarGridSpec(
            num_scalar_prefetch=6,
            grid=(NT,),
            in_specs=[
                pl.BlockSpec((TILE, D), lambda i, *_: (i, 0)),
                pl.BlockSpec(memory_space=pl.ANY),
                pl.BlockSpec(memory_space=pl.ANY),
                pl.BlockSpec(memory_space=pl.ANY),
                pl.BlockSpec((8, 128), lambda i, *_: (0, 0)),
            ],
            out_specs=pl.BlockSpec((TILE, D), lambda i, *_: (i, 0)),
            scratch_shapes=[
                pltpu.VMEM((2, DFF, D), _F32),
                pltpu.VMEM((2, DFF, D), _F32),
                pltpu.VMEM((2, D, DFF), _F32),
                pltpu.SemaphoreType.DMA((2,)),
                pltpu.SemaphoreType.DMA((2,)),
                pltpu.SemaphoreType.DMA((2,)),
            ],
        ),
        out_shape=jax.ShapeDtypeStruct((NPAD, D), _F32),
        compiler_params=pltpu.CompilerParams(
            dimension_semantics=("arbitrary",)),
    )(te_s, tv_s, tn_s, slot_s, nxte_s, pf_s, xg,
      expert_gate, expert_up, expert_down, y_sh_a)

    eg = _sc_gather(eout, pos3).reshape(TOP_K, T, D)

    y = pl.pallas_call(
        _combine_body,
        grid=(T // BT,),
        in_specs=[
            pl.BlockSpec((1, BT, D), lambda t: (0, t, 0)),
            pl.BlockSpec((1, BT, D), lambda t: (1, t, 0)),
            pl.BlockSpec((BT, TOP_K), lambda t: (t, 0)),
            pl.BlockSpec((BT, D),
                         lambda t: (jnp.minimum(t, T // 2 // BT - 1), 0)),
            pl.BlockSpec((BT, D),
                         lambda t: (jnp.maximum(t - T // 2 // BT, 0), 0)),
        ],
        out_specs=pl.BlockSpec((BT, D), lambda t: (t, 0)),
        out_shape=jax.ShapeDtypeStruct((T, D), _F32),
        compiler_params=pltpu.CompilerParams(
            dimension_semantics=("parallel",)),
    )(eg, eg, w2, y_sh_a, y_sh_b)

    return (y.reshape(b, s, h), fi.reshape(E), pi.reshape(E))

# --- scband reference (transcript-rebuilt; emitter-appended) ---
"""Pipeline reference for scband-sparse-mo-eblock-9328668967102 (READ-ONLY COPY).

The authoritative reference and input builder live on the scoring server;
editing this copy changes nothing except your own understanding.
"""

import jax, jax.numpy as jnp
import numpy as np

E = 8
TOP_K = 2
D = 1024
DFF = 1024
SH_DFF = 2048  # hidden_dim * n_shared_experts
B, S = 1, 2048


def _moe_mlp(x, gate_w, up_w, down_w):
    # gated SiLU MLP: down( silu(x@gate^T) * (x@up^T) )
    return (jax.nn.silu(x @ gate_w.T) * (x @ up_w.T)) @ down_w.T


def setup_inputs(seed: int = 0) -> dict:
    key = jax.random.key(seed)
    ks = jax.random.split(key, 8)
    hidden_states = jax.random.normal(ks[0], (B, S, D), dtype=jnp.float32)
    gate_w = jax.random.normal(ks[1], (E, D), dtype=jnp.float32) * (1.0 / np.sqrt(D))
    expert_gate = jax.random.normal(ks[2], (E, DFF, D), dtype=jnp.float32) * (1.0 / np.sqrt(D))
    expert_up = jax.random.normal(ks[3], (E, DFF, D), dtype=jnp.float32) * (1.0 / np.sqrt(D))
    expert_down = jax.random.normal(ks[4], (E, D, DFF), dtype=jnp.float32) * (1.0 / np.sqrt(DFF))
    shared_gate = jax.random.normal(ks[5], (SH_DFF, D), dtype=jnp.float32) * (1.0 / np.sqrt(D))
    shared_up = jax.random.normal(ks[6], (SH_DFF, D), dtype=jnp.float32) * (1.0 / np.sqrt(D))
    shared_down = jax.random.normal(ks[7], (D, SH_DFF), dtype=jnp.float32) * (1.0 / np.sqrt(SH_DFF))
    return {
        'hidden_states': hidden_states,
        'gate_w': gate_w,
        'expert_gate': expert_gate,
        'expert_up': expert_up,
        'expert_down': expert_down,
        'shared_gate': shared_gate,
        'shared_up': shared_up,
        'shared_down': shared_down,
    }


def reference(hidden_states, gate_w, expert_gate, expert_up, expert_down,
              shared_gate, shared_up, shared_down):
    b, s, h = hidden_states.shape
    x = hidden_states.reshape(-1, h)
    T = x.shape[0]

    # ---- MoEGate ----
    logits = x @ gate_w.T
    scores = jax.nn.softmax(logits, axis=-1)
    topk_weight, topk_idx = jax.lax.top_k(scores, TOP_K)
    # aux stats (training path, seq_aux=False)
    mask_ce = jax.nn.one_hot(topk_idx.reshape(-1), E, dtype=jnp.float32)
    ce = mask_ce.mean(axis=0)
    Pi = scores.mean(axis=0)
    fi = ce * E

    # ---- dense expert compute (math-equivalent to masked per-expert dispatch) ----
    g = jnp.einsum('td,eid->tei', x, expert_gate)
    u = jnp.einsum('td,eid->tei', x, expert_up)
    act = jax.nn.silu(g) * u
    expert_out = jnp.einsum('tei,edi->ted', act, expert_down)  # [T, E, D]

    # combine weights: scatter top-k routing weights into dense [T, E]
    combine = jnp.zeros((T, E), dtype=jnp.float32).at[
        jnp.arange(T)[:, None], topk_idx].add(topk_weight)
    y = jnp.einsum('ted,te->td', expert_out, combine).reshape(b, s, h)

    # ---- shared experts ----
    y = y + _moe_mlp(x, shared_gate, shared_up, shared_down).reshape(b, s, h)
    return (y, fi, Pi)

if __name__ == "__main__":
    import jax
    _d = setup_inputs()
    print(jax.jit(kernel)(*tuple(_d.values())))

</pallas_src>

<mosaic_0001>
#map = affine_map<(d0, d1) -> (0, 0)>
#map1 = affine_map<(d0, d1) -> (0, 0, 0)>
module attributes {stable_mosaic.version = 14 : i64} {
  func.func @k(%arg0: i32, %arg1: i32, %arg2: memref<6144x1024xf32, #tpu.memory_space<hbm>>, %arg3: memref<32x4x32xi32, #tpu.memory_space<hbm>>, %arg4: memref<4096x1024xf32, #tpu.memory_space<hbm>>, %arg5: memref<4x32xi32, #tpu.memory_space<vmem>>, %arg6: memref<32x1024xf32, #tpu.memory_space<vmem>>, %arg7: memref<32x1024xf32, #tpu.memory_space<vmem>>, %arg8: memref<!tpu.dma_semaphore, #tpu.memory_space<semaphore_mem>>, %arg9: memref<!tpu.dma_semaphore, #tpu.memory_space<semaphore_mem>>, %arg10: memref<!tpu.dma_semaphore, #tpu.memory_space<semaphore_mem>>, %arg11: memref<!tpu.dma_semaphore, #tpu.memory_space<semaphore_mem>>) attributes {dimension_semantics = [#tpu.dimension_semantics<core_parallel>, #tpu.dimension_semantics<subcore_parallel>], iteration_bounds = array<i64: 2, 16>, scalar_prefetch = 0 : i64, scratch_operands = 7 : i64, tpu.core_type = #tpu.core_type<sc_vector_subcore>, window_params = [{transform_indices = #map}, {transform_indices = #map1}, {transform_indices = #map}]} {
    %mul3A = arith.constant 2 : i32
    %mul3A_0 = arith.muli %arg1, %mul3A : i32
    %add3A = arith.addi %mul3A_0, %arg0 : i32
    %mul3A_1 = arith.constant 128 : i32
    %mul3A_2 = arith.muli %add3A, %mul3A_1 : i32
    "tpu.region"() ({
      %run_scoped3A = tpu.sem_alloc : memref<!tpu.dma_semaphore, #tpu.memory_space<semaphore_mem>>
      %dma_start3A_20 = arith.constant 0 : i32
      %dma_start3A_21 = arith.constant 0 : i32
      %dma_start3A_22 = tpu.memref_slice %arg3[%add3A, %dma_start3A_20, %dma_start3A_21] : memref<32x4x32xi32, #tpu.memory_space<hbm>> -> memref<1x4x32xi32, #tpu.memory_space<hbm>>
      %dma_start3A_23 = tpu.memref_squeeze %dma_start3A_22 : memref<1x4x32xi32, #tpu.memory_space<hbm>> -> memref<4x32xi32, #tpu.memory_space<hbm>>
      %dma_start3A_24 = arith.constant 0 : i32
      %dma_start3A_25 = arith.constant 0 : i32
      %dma_start3A_26 = tpu.memref_slice %arg3[%add3A, %dma_start3A_24, %dma_start3A_25] : memref<32x4x32xi32, #tpu.memory_space<hbm>> -> memref<1x4x32xi32, #tpu.memory_space<hbm>>
      %dma_start3A_27 = tpu.memref_squeeze %dma_start3A_26 : memref<1x4x32xi32, #tpu.memory_space<hbm>> -> memref<4x32xi32, #tpu.memory_space<hbm>>
      tpu.enqueue_dma source(%dma_start3A_27 : memref<4x32xi32, #tpu.memory_space<hbm>>) target(%arg5 : memref<4x32xi32, #tpu.memory_space<vmem>>) target_semaphore(%run_scoped3A : memref<!tpu.dma_semaphore, #tpu.memory_space<semaphore_mem>>)
      %dma_wait3A = arith.constant 0 : i32
      %dma_wait3A_28 = arith.constant 0 : i32
      %dma_wait3A_29 = tpu.memref_slice %arg3[%add3A, %dma_wait3A, %dma_wait3A_28] : memref<32x4x32xi32, #tpu.memory_space<hbm>> -> memref<1x4x32xi32, #tpu.memory_space<hbm>>
      %dma_wait3A_30 = tpu.memref_squeeze %dma_wait3A_29 : memref<1x4x32xi32, #tpu.memory_space<hbm>> -> memref<4x32xi32, #tpu.memory_space<hbm>>
      %dma_wait3A_31 = arith.constant 0 : i32
      %dma_wait3A_32 = arith.constant 0 : i32
      %dma_wait3A_33 = tpu.memref_slice %arg3[%add3A, %dma_wait3A_31, %dma_wait3A_32] : memref<32x4x32xi32, #tpu.memory_space<hbm>> -> memref<1x4x32xi32, #tpu.memory_space<hbm>>
      %dma_wait3A_34 = tpu.memref_squeeze %dma_wait3A_33 : memref<1x4x32xi32, #tpu.memory_space<hbm>> -> memref<4x32xi32, #tpu.memory_space<hbm>>
      tpu.wait_dma2 semaphore(%run_scoped3A : memref<!tpu.dma_semaphore, #tpu.memory_space<semaphore_mem>>) src(%dma_wait3A_34 : memref<4x32xi32, #tpu.memory_space<hbm>>) dst(%arg5 : memref<4x32xi32, #tpu.memory_space<vmem>>)
      tpu.yield
    }) : () -> ()
    %dma_start3A = arith.constant 0 : i32
    %dma_start3A_3 = arith.constant 0 : i32
    %dma_start3A_4 = tpu.memref_slice %arg5[%dma_start3A, %dma_start3A_3] : memref<4x32xi32, #tpu.memory_space<vmem>> -> memref<1x32xi32, #tpu.memory_space<vmem>>
    %dma_start3A_5 = tpu.memref_squeeze %dma_start3A_4 : memref<1x32xi32, #tpu.memory_space<vmem>> -> memref<32xi32, #tpu.memory_space<vmem>>
    %dma_start3A_6 = arith.constant 0 : i32
    %dma_start3A_7 = arith.constant 0 : i32
    %dma_start3A_8 = tpu.memref_slice %arg2[%dma_start3A_6, %dma_start3A_7] : memref<6144x1024xf32, #tpu.memory_space<hbm>> -> memref<6144x1024xf32, #tpu.memory_space<hbm>>
    tpu.enqueue_indirect_dma source(%dma_start3A_8 : memref<6144x1024xf32, #tpu.memory_space<hbm>>) target(%arg6 : memref<32x1024xf32, #tpu.memory_space<vmem>>) offsets(%dma_start3A_5 : memref<32xi32, #tpu.memory_space<vmem>>) semaphore(%arg8 : memref<!tpu.dma_semaphore, #tpu.memory_space<semaphore_mem>>)
    %dma_start3A_9 = arith.constant 1 : i32
    %dma_start3A_10 = arith.constant 0 : i32
    %dma_start3A_11 = tpu.memref_slice %arg5[%dma_start3A_9, %dma_start3A_10] : memref<4x32xi32, #tpu.memory_space<vmem>> -> memref<1x32xi32, #tpu.memory_space<vmem>>
    %dma_start3A_12 = tpu.memref_squeeze %dma_start3A_11 : memref<1x32xi32, #tpu.memory_space<vmem>> -> memref<32xi32, #tpu.memory_space<vmem>>
    %dma_start3A_13 = arith.constant 0 : i32
    %dma_start3A_14 = arith.constant 0 : i32
    %dma_start3A_15 = tpu.memref_slice %arg2[%dma_start3A_13, %dma_start3A_14] : memref<6144x1024xf32, #tpu.memory_space<hbm>> -> memref<6144x1024xf32, #tpu.memory_space<hbm>>
    tpu.enqueue_indirect_dma source(%dma_start3A_15 : memref<6144x1024xf32, #tpu.memory_space<hbm>>) target(%arg7 : memref<32x1024xf32, #tpu.memory_space<vmem>>) offsets(%dma_start3A_12 : memref<32xi32, #tpu.memory_space<vmem>>) semaphore(%arg9 : memref<!tpu.dma_semaphore, #tpu.memory_space<semaphore_mem>>)
    %scan3A = arith.constant 0 : i32
    %scan3A_16 = arith.constant 2 : i32
    %scan3A_17 = arith.addi %scan3A, %scan3A_16 : i32
    %scan3A_18 = arith.constant 1 : i32
    scf.for %scan3A_20 = %scan3A to %scan3A_17 step %scan3A_18  : i32 {
      %mul3A_21 = arith.constant 2 : i32
      %mul3A_22 = arith.muli %scan3A_20, %mul3A_21 : i32
      %add3A_23 = arith.constant 0 : i32
      %add3A_24 = arith.addi %add3A_23, %mul3A_22 : i32
      %add3A_25 = arith.constant 0 : i32
      %add3A_26 = arith.addi %add3A_24, %add3A_25 : i32
      %dma_wait3A = arith.constant 0 : i32
      %dma_wait3A_27 = arith.constant 0 : i32
      %dma_wait3A_28 = tpu.memref_slice %arg2[%dma_wait3A, %dma_wait3A_27] : memref<6144x1024xf32, #tpu.memory_space<hbm>> -> memref<32x1024xf32, #tpu.memory_space<hbm>>
      %dma_wait3A_29 = arith.constant 0 : i32
      %dma_wait3A_30 = arith.constant 0 : i32
      %dma_wait3A_31 = tpu.memref_slice %arg2[%dma_wait3A_29, %dma_wait3A_30] : memref<6144x1024xf32, #tpu.memory_space<hbm>> -> memref<32x1024xf32, #tpu.memory_space<hbm>>
      tpu.wait_dma2 semaphore(%arg8 : memref<!tpu.dma_semaphore, #tpu.memory_space<semaphore_mem>>) src(%dma_wait3A_31 : memref<32x1024xf32, #tpu.memory_space<hbm>>) dst(%arg6 : memref<32x1024xf32, #tpu.memory_space<vmem>>)
      %mul3A_32 = arith.constant 32 : i32
      %mul3A_33 = arith.muli %add3A_26, %mul3A_32 : i32
      %add3A_34 = arith.addi %mul3A_2, %mul3A_33 : i32
      %dma_start3A_35 = arith.constant 0 : i32
      %dma_start3A_36 = tpu.memref_slice %arg4[%add3A_34, %dma_start3A_35] : memref<4096x1024xf32, #tpu.memory_space<hbm>> -> memref<32x1024xf32, #tpu.memory_space<hbm>>
      %dma_start3A_37 = arith.constant 0 : i32
      %dma_start3A_38 = tpu.memref_slice %arg4[%add3A_34, %dma_start3A_37] : memref<4096x1024xf32, #tpu.memory_space<hbm>> -> memref<32x1024xf32, #tpu.memory_space<hbm>>
      tpu.enqueue_dma source(%arg6 : memref<32x1024xf32, #tpu.memory_space<vmem>>) target(%dma_start3A_38 : memref<32x1024xf32, #tpu.memory_space<hbm>>) target_semaphore(%arg10 : memref<!tpu.dma_semaphore, #tpu.memory_space<semaphore_mem>>)
      %dma_wait3A_39 = arith.constant 0 : i32
      %dma_wait3A_40 = tpu.memref_slice %arg4[%add3A_34, %dma_wait3A_39] : memref<4096x1024xf32, #tpu.memory_space<hbm>> -> memref<32x1024xf32, #tpu.memory_space<hbm>>
      %dma_wait3A_41 = arith.constant 0 : i32
      %dma_wait3A_42 = tpu.memref_slice %arg4[%add3A_34, %dma_wait3A_41] : memref<4096x1024xf32, #tpu.memory_space<hbm>> -> memref<32x1024xf32, #tpu.memory_space<hbm>>
      tpu.wait_dma2 semaphore(%arg10 : memref<!tpu.dma_semaphore, #tpu.memory_space<semaphore_mem>>) src(%arg6 : memref<32x1024xf32, #tpu.memory_space<vmem>>) dst(%dma_wait3A_42 : memref<32x1024xf32, #tpu.memory_space<hbm>>)
      %add3A_43 = arith.constant 2 : i32
      %add3A_44 = arith.addi %add3A_26, %add3A_43 : i32
      %lt3A = arith.constant 4 : i32
      %lt3A_45 = arith.cmpi slt, %add3A_44, %lt3A : i32
      %convert_element_type3A = arith.extui %lt3A_45 : i1 to i32
      %cond3A = arith.constant 0 : i32
      %cond3A_46 = arith.cmpi ne, %convert_element_type3A, %cond3A : i32
      scf.if %cond3A_46 {
        %add3A_73 = arith.constant 2 : i32
        %add3A_74 = arith.addi %add3A_26, %add3A_73 : i32
        %dma_start3A_75 = arith.constant 0 : i32
        %dma_start3A_76 = tpu.memref_slice %arg5[%add3A_74, %dma_start3A_75] : memref<4x32xi32, #tpu.memory_space<vmem>> -> memref<1x32xi32, #tpu.memory_space<vmem>>
        %dma_start3A_77 = tpu.memref_squeeze %dma_start3A_76 : memref<1x32xi32, #tpu.memory_space<vmem>> -> memref<32xi32, #tpu.memory_space<vmem>>
        %dma_start3A_78 = arith.constant 0 : i32
        %dma_start3A_79 = arith.constant 0 : i32
        %dma_start3A_80 = tpu.memref_slice %arg2[%dma_start3A_78, %dma_start3A_79] : memref<6144x1024xf32, #tpu.memory_space<hbm>> -> memref<6144x1024xf32, #tpu.memory_space<hbm>>
        tpu.enqueue_indirect_dma source(%dma_start3A_80 : memref<6144x1024xf32, #tpu.memory_space<hbm>>) target(%arg6 : memref<32x1024xf32, #tpu.memory_space<vmem>>) offsets(%dma_start3A_77 : memref<32xi32, #tpu.memory_space<vmem>>) semaphore(%arg8 : memref<!tpu.dma_semaphore, #tpu.memory_space<semaphore_mem>>)
      } else {
      }
      %add3A_47 = arith.constant 1 : i32
      %add3A_48 = arith.addi %add3A_24, %add3A_47 : i32
      %dma_wait3A_49 = arith.constant 0 : i32
      %dma_wait3A_50 = arith.constant 0 : i32
      %dma_wait3A_51 = tpu.memref_slice %arg2[%dma_wait3A_49, %dma_wait3A_50] : memref<6144x1024xf32, #tpu.memory_space<hbm>> -> memref<32x1024xf32, #tpu.memory_space<hbm>>
      %dma_wait3A_52 = arith.constant 0 : i32
      %dma_wait3A_53 = arith.constant 0 : i32
      %dma_wait3A_54 = tpu.memref_slice %arg2[%dma_wait3A_52, %dma_wait3A_53] : memref<6144x1024xf32, #tpu.memory_space<hbm>> -> memref<32x1024xf32, #tpu.memory_space<hbm>>
      tpu.wait_dma2 semaphore(%arg9 : memref<!tpu.dma_semaphore, #tpu.memory_space<semaphore_mem>>) src(%dma_wait3A_54 : memref<32x1024xf32, #tpu.memory_space<hbm>>) dst(%arg7 : memref<32x1024xf32, #tpu.memory_space<vmem>>)
      %mul3A_55 = arith.constant 32 : i32
      %mul3A_56 = arith.muli %add3A_48, %mul3A_55 : i32
      %add3A_57 = arith.addi %mul3A_2, %mul3A_56 : i32
      %dma_start3A_58 = arith.constant 0 : i32
      %dma_start3A_59 = tpu.memref_slice %arg4[%add3A_57, %dma_start3A_58] : memref<4096x1024xf32, #tpu.memory_space<hbm>> -> memref<32x1024xf32, #tpu.memory_space<hbm>>
      %dma_start3A_60 = arith.constant 0 : i32
      %dma_start3A_61 = tpu.memref_slice %arg4[%add3A_57, %dma_start3A_60] : memref<4096x1024xf32, #tpu.memory_space<hbm>> -> memref<32x1024xf32, #tpu.memory_space<hbm>>
      tpu.enqueue_dma source(%arg7 : memref<32x1024xf32, #tpu.memory_space<vmem>>) target(%dma_start3A_61 : memref<32x1024xf32, #tpu.memory_space<hbm>>) target_semaphore(%arg11 : memref<!tpu.dma_semaphore, #tpu.memory_space<semaphore_mem>>)
      %dma_wait3A_62 = arith.constant 0 : i32
      %dma_wait3A_63 = tpu.memref_slice %arg4[%add3A_57, %dma_wait3A_62] : memref<4096x1024xf32, #tpu.memory_space<hbm>> -> memref<32x1024xf32, #tpu.memory_space<hbm>>
      %dma_wait3A_64 = arith.constant 0 : i32
      %dma_wait3A_65 = tpu.memref_slice %arg4[%add3A_57, %dma_wait3A_64] : memref<4096x1024xf32, #tpu.memory_space<hbm>> -> memref<32x1024xf32, #tpu.memory_space<hbm>>
      tpu.wait_dma2 semaphore(%arg11 : memref<!tpu.dma_semaphore, #tpu.memory_space<semaphore_mem>>) src(%arg7 : memref<32x1024xf32, #tpu.memory_space<vmem>>) dst(%dma_wait3A_65 : memref<32x1024xf32, #tpu.memory_space<hbm>>)
      %add3A_66 = arith.constant 2 : i32
      %add3A_67 = arith.addi %add3A_48, %add3A_66 : i32
      %lt3A_68 = arith.constant 4 : i32
      %lt3A_69 = arith.cmpi slt, %add3A_67, %lt3A_68 : i32
      %convert_element_type3A_70 = arith.extui %lt3A_69 : i1 to i32
      %cond3A_71 = arith.constant 0 : i32
      %cond3A_72 = arith.cmpi ne, %convert_element_type3A_70, %cond3A_71 : i32
      scf.if %cond3A_72 {
        %add3A_73 = arith.constant 2 : i32
        %add3A_74 = arith.addi %add3A_48, %add3A_73 : i32
        %dma_start3A_75 = arith.constant 0 : i32
        %dma_start3A_76 = tpu.memref_slice %arg5[%add3A_74, %dma_start3A_75] : memref<4x32xi32, #tpu.memory_space<vmem>> -> memref<1x32xi32, #tpu.memory_space<vmem>>
        %dma_start3A_77 = tpu.memref_squeeze %dma_start3A_76 : memref<1x32xi32, #tpu.memory_space<vmem>> -> memref<32xi32, #tpu.memory_space<vmem>>
        %dma_start3A_78 = arith.constant 0 : i32
        %dma_start3A_79 = arith.constant 0 : i32
        %dma_start3A_80 = tpu.memref_slice %arg2[%dma_start3A_78, %dma_start3A_79] : memref<6144x1024xf32, #tpu.memory_space<hbm>> -> memref<6144x1024xf32, #tpu.memory_space<hbm>>
        tpu.enqueue_indirect_dma source(%dma_start3A_80 : memref<6144x1024xf32, #tpu.memory_space<hbm>>) target(%arg7 : memref<32x1024xf32, #tpu.memory_space<vmem>>) offsets(%dma_start3A_77 : memref<32xi32, #tpu.memory_space<vmem>>) semaphore(%arg9 : memref<!tpu.dma_semaphore, #tpu.memory_space<semaphore_mem>>)
      } else {
      }
    }
    %scan3A_19 = arith.constant 2 : i32
    return
  }
}

#map = affine_map<(d0, d1) -> (0, 0)>
#map1 = affine_map<(d0, d1) -> (0, 0, 0)>
module attributes {stable_mosaic.version = 14 : i64} {
  func.func @k(%arg0: i32, %arg1: i32, %arg2: memref<2048x1024xf32, #tpu.memory_space<hbm>>, %arg3: memref<32x4x32xi32, #tpu.memory_space<hbm>>, %arg4: memref<6144x1024xf32, #tpu.memory_space<hbm>>, %arg5: memref<4x32xi32, #tpu.memory_space<vmem>>, %arg6: memref<32x1024xf32, #tpu.memory_space<vmem>>, %arg7: memref<32x1024xf32, #tpu.memory_space<vmem>>, %arg8: memref<!tpu.dma_semaphore, #tpu.memory_space<semaphore_mem>>, %arg9: memref<!tpu.dma_semaphore, #tpu.memory_space<semaphore_mem>>, %arg10: memref<!tpu.dma_semaphore, #tpu.memory_space<semaphore_mem>>, %arg11: memref<!tpu.dma_semaphore, #tpu.memory_space<semaphore_mem>>) attributes {dimension_semantics = [#tpu.dimension_semantics<core_parallel>, #tpu.dimension_semantics<subcore_parallel>], iteration_bounds = array<i64: 2, 16>, scalar_prefetch = 0 : i64, scratch_operands = 7 : i64, tpu.core_type = #tpu.core_type<sc_vector_subcore>, window_params = [{transform_indices = #map}, {transform_indices = #map1}, {transform_indices = #map}]} {
    %mul3A = arith.constant 2 : i32
    %mul3A_0 = arith.muli %arg1, %mul3A : i32
    %add3A = arith.addi %mul3A_0, %arg0 : i32
    %mul3A_1 = arith.constant 128 : i32
    %mul3A_2 = arith.muli %add3A, %mul3A_1 : i32
    "tpu.region"() ({
      %run_scoped3A = tpu.sem_alloc : memref<!tpu.dma_semaphore, #tpu.memory_space<semaphore_mem>>
      %dma_start3A_43 = arith.constant 0 : i32
      %dma_start3A_44 = arith.constant 0 : i32
      %dma_start3A_45 = tpu.memref_slice %arg3[%add3A, %dma_start3A_43, %dma_start3A_44] : memref<32x4x32xi32, #tpu.memory_space<hbm>> -> memref<1x4x32xi32, #tpu.memory_space<hbm>>
      %dma_start3A_46 = tpu.memref_squeeze %dma_start3A_45 : memref<1x4x32xi32, #tpu.memory_space<hbm>> -> memref<4x32xi32, #tpu.memory_space<hbm>>
      %dma_start3A_47 = arith.constant 0 : i32
      %dma_start3A_48 = arith.constant 0 : i32
      %dma_start3A_49 = tpu.memref_slice %arg3[%add3A, %dma_start3A_47, %dma_start3A_48] : memref<32x4x32xi32, #tpu.memory_space<hbm>> -> memref<1x4x32xi32, #tpu.memory_space<hbm>>
      %dma_start3A_50 = tpu.memref_squeeze %dma_start3A_49 : memref<1x4x32xi32, #tpu.memory_space<hbm>> -> memref<4x32xi32, #tpu.memory_space<hbm>>
      tpu.enqueue_dma source(%dma_start3A_50 : memref<4x32xi32, #tpu.memory_space<hbm>>) target(%arg5 : memref<4x32xi32, #tpu.memory_space<vmem>>) target_semaphore(%run_scoped3A : memref<!tpu.dma_semaphore, #tpu.memory_space<semaphore_mem>>)
      %dma_wait3A = arith.constant 0 : i32
      %dma_wait3A_51 = arith.constant 0 : i32
      %dma_wait3A_52 = tpu.memref_slice %arg3[%add3A, %dma_wait3A, %dma_wait3A_51] : memref<32x4x32xi32, #tpu.memory_space<hbm>> -> memref<1x4x32xi32, #tpu.memory_space<hbm>>
      %dma_wait3A_53 = tpu.memref_squeeze %dma_wait3A_52 : memref<1x4x32xi32, #tpu.memory_space<hbm>> -> memref<4x32xi32, #tpu.memory_space<hbm>>
      %dma_wait3A_54 = arith.constant 0 : i32
      %dma_wait3A_55 = arith.constant 0 : i32
      %dma_wait3A_56 = tpu.memref_slice %arg3[%add3A, %dma_wait3A_54, %dma_wait3A_55] : memref<32x4x32xi32, #tpu.memory_space<hbm>> -> memref<1x4x32xi32, #tpu.memory_space<hbm>>
      %dma_wait3A_57 = tpu.memref_squeeze %dma_wait3A_56 : memref<1x4x32xi32, #tpu.memory_space<hbm>> -> memref<4x32xi32, #tpu.memory_space<hbm>>
      tpu.wait_dma2 semaphore(%run_scoped3A : memref<!tpu.dma_semaphore, #tpu.memory_space<semaphore_mem>>) src(%dma_wait3A_57 : memref<4x32xi32, #tpu.memory_space<hbm>>) dst(%arg5 : memref<4x32xi32, #tpu.memory_space<vmem>>)
      tpu.yield
    }) : () -> ()
    %add3A_3 = arith.constant 0 : i32
    %add3A_4 = arith.addi %mul3A_2, %add3A_3 : i32
    %jit3A = arith.constant 2048 : i32
    %eq3A = arith.constant 0 : i32
    %eq3A_5 = arith.cmpi eq, %jit3A, %eq3A : i32
    %jit3A_6 = arith.constant 1 : i32
    %select_n3A = arith.select %eq3A_5, %jit3A_6, %jit3A : i32
    %rem3A = arith.remsi %add3A_4, %select_n3A : i32
    %ne3A = arith.constant 0 : i32
    %ne3A_7 = arith.cmpi ne, %rem3A, %ne3A : i32
    %lt3A = arith.constant 0 : i32
    %lt3A_8 = arith.cmpi slt, %rem3A, %lt3A : i32
    %lt3A_9 = arith.constant 0 : i32
    %lt3A_10 = arith.cmpi slt, %select_n3A, %lt3A_9 : i32
    %ne3A_11 = arith.xori %lt3A_8, %lt3A_10 : i1
    %and3A = arith.andi %ne3A_11, %ne3A_7 : i1
    %add3A_12 = arith.addi %rem3A, %select_n3A : i32
    %select_n3A_13 = arith.select %and3A, %add3A_12, %rem3A : i32
    %dma_start3A = arith.constant 0 : i32
    %dma_start3A_14 = tpu.memref_slice %arg2[%select_n3A_13, %dma_start3A] : memref<2048x1024xf32, #tpu.memory_space<hbm>> -> memref<32x1024xf32, #tpu.memory_space<hbm>>
    %dma_start3A_15 = arith.constant 0 : i32
    %dma_start3A_16 = tpu.memref_slice %arg2[%select_n3A_13, %dma_start3A_15] : memref<2048x1024xf32, #tpu.memory_space<hbm>> -> memref<32x1024xf32, #tpu.memory_space<hbm>>
    tpu.enqueue_dma source(%dma_start3A_16 : memref<32x1024xf32, #tpu.memory_space<hbm>>) target(%arg6 : memref<32x1024xf32, #tpu.memory_space<vmem>>) target_semaphore(%arg8 : memref<!tpu.dma_semaphore, #tpu.memory_space<semaphore_mem>>)
    %add3A_17 = arith.constant 32 : i32
    %add3A_18 = arith.addi %mul3A_2, %add3A_17 : i32
    %jit3A_19 = arith.constant 2048 : i32
    %eq3A_20 = arith.constant 0 : i32
    %eq3A_21 = arith.cmpi eq, %jit3A_19, %eq3A_20 : i32
    %jit3A_22 = arith.constant 1 : i32
    %select_n3A_23 = arith.select %eq3A_21, %jit3A_22, %jit3A_19 : i32
    %rem3A_24 = arith.remsi %add3A_18, %select_n3A_23 : i32
    %ne3A_25 = arith.constant 0 : i32
    %ne3A_26 = arith.cmpi ne, %rem3A_24, %ne3A_25 : i32
    %lt3A_27 = arith.constant 0 : i32
    %lt3A_28 = arith.cmpi slt, %rem3A_24, %lt3A_27 : i32
    %lt3A_29 = arith.constant 0 : i32
    %lt3A_30 = arith.cmpi slt, %select_n3A_23, %lt3A_29 : i32
    %ne3A_31 = arith.xori %lt3A_28, %lt3A_30 : i1
    %and3A_32 = arith.andi %ne3A_31, %ne3A_26 : i1
    %add3A_33 = arith.addi %rem3A_24, %select_n3A_23 : i32
    %select_n3A_34 = arith.select %and3A_32, %add3A_33, %rem3A_24 : i32
    %dma_start3A_35 = arith.constant 0 : i32
    %dma_start3A_36 = tpu.memref_slice %arg2[%select_n3A_34, %dma_start3A_35] : memref<2048x1024xf32, #tpu.memory_space<hbm>> -> memref<32x1024xf32, #tpu.memory_space<hbm>>
    %dma_start3A_37 = arith.constant 0 : i32
    %dma_start3A_38 = tpu.memref_slice %arg2[%select_n3A_34, %dma_start3A_37] : memref<2048x1024xf32, #tpu.memory_space<hbm>> -> memref<32x1024xf32, #tpu.memory_space<hbm>>
    tpu.enqueue_dma source(%dma_start3A_38 : memref<32x1024xf32, #tpu.memory_space<hbm>>) target(%arg7 : memref<32x1024xf32, #tpu.memory_space<vmem>>) target_semaphore(%arg9 : memref<!tpu.dma_semaphore, #tpu.memory_space<semaphore_mem>>)
    %scan3A = arith.constant 0 : i32
    %scan3A_39 = arith.constant 2 : i32
    %scan3A_40 = arith.addi %scan3A, %scan3A_39 : i32
    %scan3A_41 = arith.constant 1 : i32
    scf.for %scan3A_43 = %scan3A to %scan3A_40 step %scan3A_41  : i32 {
      %mul3A_44 = arith.constant 2 : i32
      %mul3A_45 = arith.muli %scan3A_43, %mul3A_44 : i32
      %add3A_46 = arith.constant 0 : i32
      %add3A_47 = arith.addi %add3A_46, %mul3A_45 : i32
      %add3A_48 = arith.constant 0 : i32
      %add3A_49 = arith.addi %add3A_47, %add3A_48 : i32
      %dma_wait3A = arith.constant 0 : i32
      %dma_wait3A_50 = arith.constant 0 : i32
      %dma_wait3A_51 = tpu.memref_slice %arg2[%dma_wait3A, %dma_wait3A_50] : memref<2048x1024xf32, #tpu.memory_space<hbm>> -> memref<32x1024xf32, #tpu.memory_space<hbm>>
      %dma_wait3A_52 = arith.constant 0 : i32
      %dma_wait3A_53 = arith.constant 0 : i32
      %dma_wait3A_54 = tpu.memref_slice %arg2[%dma_wait3A_52, %dma_wait3A_53] : memref<2048x1024xf32, #tpu.memory_space<hbm>> -> memref<32x1024xf32, #tpu.memory_space<hbm>>
      tpu.wait_dma2 semaphore(%arg8 : memref<!tpu.dma_semaphore, #tpu.memory_space<semaphore_mem>>) src(%dma_wait3A_54 : memref<32x1024xf32, #tpu.memory_space<hbm>>) dst(%arg6 : memref<32x1024xf32, #tpu.memory_space<vmem>>)
      %dma_start3A_55 = arith.constant 0 : i32
      %dma_start3A_56 = tpu.memref_slice %arg5[%add3A_49, %dma_start3A_55] : memref<4x32xi32, #tpu.memory_space<vmem>> -> memref<1x32xi32, #tpu.memory_space<vmem>>
      %dma_start3A_57 = tpu.memref_squeeze %dma_start3A_56 : memref<1x32xi32, #tpu.memory_space<vmem>> -> memref<32xi32, #tpu.memory_space<vmem>>
      %dma_start3A_58 = arith.constant 0 : i32
      %dma_start3A_59 = arith.constant 0 : i32
      %dma_start3A_60 = tpu.memref_slice %arg4[%dma_start3A_58, %dma_start3A_59] : memref<6144x1024xf32, #tpu.memory_space<hbm>> -> memref<6144x1024xf32, #tpu.memory_space<hbm>>
      tpu.enqueue_indirect_dma source(%arg6 : memref<32x1024xf32, #tpu.memory_space<vmem>>) target(%dma_start3A_60 : memref<6144x1024xf32, #tpu.memory_space<hbm>>) offsets(%dma_start3A_57 : memref<32xi32, #tpu.memory_space<vmem>>) semaphore(%arg10 : memref<!tpu.dma_semaphore, #tpu.memory_space<semaphore_mem>>)
      %dma_wait3A_61 = arith.constant 0 : i32
      %dma_wait3A_62 = tpu.memref_slice %arg5[%add3A_49, %dma_wait3A_61] : memref<4x32xi32, #tpu.memory_space<vmem>> -> memref<1x32xi32, #tpu.memory_space<vmem>>
      %dma_wait3A_63 = tpu.memref_squeeze %dma_wait3A_62 : memref<1x32xi32, #tpu.memory_space<vmem>> -> memref<32xi32, #tpu.memory_space<vmem>>
      %dma_wait3A_64 = arith.constant 0 : i32
      %dma_wait3A_65 = arith.constant 0 : i32
      %dma_wait3A_66 = tpu.memref_slice %arg4[%dma_wait3A_64, %dma_wait3A_65] : memref<6144x1024xf32, #tpu.memory_space<hbm>> -> memref<6144x1024xf32, #tpu.memory_space<hbm>>
      tpu.wait_indirect_dma semaphore(%arg10 : memref<!tpu.dma_semaphore, #tpu.memory_space<semaphore_mem>>) src(%arg6 : memref<32x1024xf32, #tpu.memory_space<vmem>>) dst(%dma_wait3A_66 : memref<6144x1024xf32, #tpu.memory_space<hbm>>)
      %add3A_67 = arith.constant 2 : i32
      %add3A_68 = arith.addi %add3A_49, %add3A_67 : i32
      %lt3A_69 = arith.constant 4 : i32
      %lt3A_70 = arith.cmpi slt, %add3A_68, %lt3A_69 : i32
      %convert_element_type3A = arith.extui %lt3A_70 : i1 to i32
      %cond3A = arith.constant 0 : i32
      %cond3A_71 = arith.cmpi ne, %convert_element_type3A, %cond3A : i32
      scf.if %cond3A_71 {
        %add3A_99 = arith.constant 2 : i32
        %add3A_100 = arith.addi %add3A_49, %add3A_99 : i32
        %mul3A_101 = arith.constant 32 : i32
        %mul3A_102 = arith.muli %add3A_100, %mul3A_101 : i32
        %add3A_103 = arith.addi %mul3A_2, %mul3A_102 : i32
        %jit3A_104 = arith.constant 2048 : i32
        %eq3A_105 = arith.constant 0 : i32
        %eq3A_106 = arith.cmpi eq, %jit3A_104, %eq3A_105 : i32
        %jit3A_107 = arith.constant 1 : i32
        %select_n3A_108 = arith.select %eq3A_106, %jit3A_107, %jit3A_104 : i32
        %rem3A_109 = arith.remsi %add3A_103, %select_n3A_108 : i32
        %ne3A_110 = arith.constant 0 : i32
        %ne3A_111 = arith.cmpi ne, %rem3A_109, %ne3A_110 : i32
        %lt3A_112 = arith.constant 0 : i32
        %lt3A_113 = arith.cmpi slt, %rem3A_109, %lt3A_112 : i32
        %lt3A_114 = arith.constant 0 : i32
        %lt3A_115 = arith.cmpi slt, %select_n3A_108, %lt3A_114 : i32
        %ne3A_116 = arith.xori %lt3A_113, %lt3A_115 : i1
        %and3A_117 = arith.andi %ne3A_116, %ne3A_111 : i1
        %add3A_118 = arith.addi %rem3A_109, %select_n3A_108 : i32
        %select_n3A_119 = arith.select %and3A_117, %add3A_118, %rem3A_109 : i32
        %dma_start3A_120 = arith.constant 0 : i32
        %dma_start3A_121 = tpu.memref_slice %arg2[%select_n3A_119, %dma_start3A_120] : memref<2048x1024xf32, #tpu.memory_space<hbm>> -> memref<32x1024xf32, #tpu.memory_space<hbm>>
        %dma_start3A_122 = arith.constant 0 : i32
        %dma_start3A_123 = tpu.memref_slice %arg2[%select_n3A_119, %dma_start3A_122] : memref<2048x1024xf32, #tpu.memory_space<hbm>> -> memref<32x1024xf32, #tpu.memory_space<hbm>>
        tpu.enqueue_dma source(%dma_start3A_123 : memref<32x1024xf32, #tpu.memory_space<hbm>>) target(%arg6 : memref<32x1024xf32, #tpu.memory_space<vmem>>) target_semaphore(%arg8 : memref<!tpu.dma_semaphore, #tpu.memory_space<semaphore_mem>>)
      } else {
      }
      %add3A_72 = arith.constant 1 : i32
      %add3A_73 = arith.addi %add3A_47, %add3A_72 : i32
      %dma_wait3A_74 = arith.constant 0 : i32
      %dma_wait3A_75 = arith.constant 0 : i32
      %dma_wait3A_76 = tpu.memref_slice %arg2[%dma_wait3A_74, %dma_wait3A_75] : memref<2048x1024xf32, #tpu.memory_space<hbm>> -> memref<32x1024xf32, #tpu.memory_space<hbm>>
      %dma_wait3A_77 = arith.constant 0 : i32
      %dma_wait3A_78 = arith.constant 0 : i32
      %dma_wait3A_79 = tpu.memref_slice %arg2[%dma_wait3A_77, %dma_wait3A_78] : memref<2048x1024xf32, #tpu.memory_space<hbm>> -> memref<32x1024xf32, #tpu.memory_space<hbm>>
      tpu.wait_dma2 semaphore(%arg9 : memref<!tpu.dma_semaphore, #tpu.memory_space<semaphore_mem>>) src(%dma_wait3A_79 : memref<32x1024xf32, #tpu.memory_space<hbm>>) dst(%arg7 : memref<32x1024xf32, #tpu.memory_space<vmem>>)
      %dma_start3A_80 = arith.constant 0 : i32
      %dma_start3A_81 = tpu.memref_slice %arg5[%add3A_73, %dma_start3A_80] : memref<4x32xi32, #tpu.memory_space<vmem>> -> memref<1x32xi32, #tpu.memory_space<vmem>>
      %dma_start3A_82 = tpu.memref_squeeze %dma_start3A_81 : memref<1x32xi32, #tpu.memory_space<vmem>> -> memref<32xi32, #tpu.memory_space<vmem>>
      %dma_start3A_83 = arith.constant 0 : i32
      %dma_start3A_84 = arith.constant 0 : i32
      %dma_start3A_85 = tpu.memref_slice %arg4[%dma_start3A_83, %dma_start3A_84] : memref<6144x1024xf32, #tpu.memory_space<hbm>> -> memref<6144x1024xf32, #tpu.memory_space<hbm>>
      tpu.enqueue_indirect_dma source(%arg7 : memref<32x1024xf32, #tpu.memory_space<vmem>>) target(%dma_start3A_85 : memref<6144x1024xf32, #tpu.memory_space<hbm>>) offsets(%dma_start3A_82 : memref<32xi32, #tpu.memory_space<vmem>>) semaphore(%arg11 : memref<!tpu.dma_semaphore, #tpu.memory_space<semaphore_mem>>)
      %dma_wait3A_86 = arith.constant 0 : i32
      %dma_wait3A_87 = tpu.memref_slice %arg5[%add3A_73, %dma_wait3A_86] : memref<4x32xi32, #tpu.memory_space<vmem>> -> memref<1x32xi32, #tpu.memory_space<vmem>>
      %dma_wait3A_88 = tpu.memref_squeeze %dma_wait3A_87 : memref<1x32xi32, #tpu.memory_space<vmem>> -> memref<32xi32, #tpu.memory_space<vmem>>
      %dma_wait3A_89 = arith.constant 0 : i32
      %dma_wait3A_90 = arith.constant 0 : i32
      %dma_wait3A_91 = tpu.memref_slice %arg4[%dma_wait3A_89, %dma_wait3A_90] : memref<6144x1024xf32, #tpu.memory_space<hbm>> -> memref<6144x1024xf32, #tpu.memory_space<hbm>>
      tpu.wait_indirect_dma semaphore(%arg11 : memref<!tpu.dma_semaphore, #tpu.memory_space<semaphore_mem>>) src(%arg7 : memref<32x1024xf32, #tpu.memory_space<vmem>>) dst(%dma_wait3A_91 : memref<6144x1024xf32, #tpu.memory_space<hbm>>)
      %add3A_92 = arith.constant 2 : i32
      %add3A_93 = arith.addi %add3A_73, %add3A_92 : i32
      %lt3A_94 = arith.constant 4 : i32
      %lt3A_95 = arith.cmpi slt, %add3A_93, %lt3A_94 : i32
      %convert_element_type3A_96 = arith.extui %lt3A_95 : i1 to i32
      %cond3A_97 = arith.constant 0 : i32
      %cond3A_98 = arith.cmpi ne, %convert_element_type3A_96, %cond3A_97 : i32
      scf.if %cond3A_98 {
        %add3A_99 = arith.constant 2 : i32
        %add3A_100 = arith.addi %add3A_73, %add3A_99 : i32
        %mul3A_101 = arith.constant 32 : i32
        %mul3A_102 = arith.muli %add3A_100, %mul3A_101 : i32
        %add3A_103 = arith.addi %mul3A_2, %mul3A_102 : i32
        %jit3A_104 = arith.constant 2048 : i32
        %eq3A_105 = arith.constant 0 : i32
        %eq3A_106 = arith.cmpi eq, %jit3A_104, %eq3A_105 : i32
        %jit3A_107 = arith.constant 1 : i32
        %select_n3A_108 = arith.select %eq3A_106, %jit3A_107, %jit3A_104 : i32
        %rem3A_109 = arith.remsi %add3A_103, %select_n3A_108 : i32
        %ne3A_110 = arith.constant 0 : i32
        %ne3A_111 = arith.cmpi ne, %rem3A_109, %ne3A_110 : i32
        %lt3A_112 = arith.constant 0 : i32
        %lt3A_113 = arith.cmpi slt, %rem3A_109, %lt3A_112 : i32
        %lt3A_114 = arith.constant 0 : i32
        %lt3A_115 = arith.cmpi slt, %select_n3A_108, %lt3A_114 : i32
        %ne3A_116 = arith.xori %lt3A_113, %lt3A_115 : i1
        %and3A_117 = arith.andi %ne3A_116, %ne3A_111 : i1
        %add3A_118 = arith.addi %rem3A_109, %select_n3A_108 : i32
        %select_n3A_119 = arith.select %and3A_117, %add3A_118, %rem3A_109 : i32
        %dma_start3A_120 = arith.constant 0 : i32
        %dma_start3A_121 = tpu.memref_slice %arg2[%select_n3A_119, %dma_start3A_120] : memref<2048x1024xf32, #tpu.memory_space<hbm>> -> memref<32x1024xf32, #tpu.memory_space<hbm>>
        %dma_start3A_122 = arith.constant 0 : i32
        %dma_start3A_123 = tpu.memref_slice %arg2[%select_n3A_119, %dma_start3A_122] : memref<2048x1024xf32, #tpu.memory_space<hbm>> -> memref<32x1024xf32, #tpu.memory_space<hbm>>
        tpu.enqueue_dma source(%dma_start3A_123 : memref<32x1024xf32, #tpu.memory_space<hbm>>) target(%arg7 : memref<32x1024xf32, #tpu.memory_space<vmem>>) target_semaphore(%arg9 : memref<!tpu.dma_semaphore, #tpu.memory_space<semaphore_mem>>)
      } else {
      }
    }
    %scan3A_42 = arith.constant 2 : i32
    return
  }
}

module attributes {stable_mosaic.version = 14 : i64} {
  func.func @_grouped_body(%arg0: i32, %arg1: memref<24xi32, #tpu.memory_space<smem>>, %arg2: memref<24xi32, #tpu.memory_space<smem>>, %arg3: memref<24xi32, #tpu.memory_space<smem>>, %arg4: memref<24xi32, #tpu.memory_space<smem>>, %arg5: memref<24xi32, #tpu.memory_space<smem>>, %arg6: memref<24xi32, #tpu.memory_space<smem>>, %arg7: memref<256x1024xf32, #tpu.memory_space<vmem>>, %arg8: memref<8x1024x1024xf32, #tpu.memory_space<any>>, %arg9: memref<8x1024x1024xf32, #tpu.memory_space<any>>, %arg10: memref<8x1024x1024xf32, #tpu.memory_space<any>>, %arg11: memref<8x128xf32, #tpu.memory_space<vmem>>, %arg12: memref<256x1024xf32, #tpu.memory_space<vmem>>, %arg13: memref<2x1024x1024xf32, #tpu.memory_space<vmem>>, %arg14: memref<2x1024x1024xf32, #tpu.memory_space<vmem>>, %arg15: memref<2x1024x1024xf32, #tpu.memory_space<vmem>>, %arg16: memref<2x!tpu.dma_semaphore, #tpu.memory_space<semaphore_mem>>, %arg17: memref<2x!tpu.dma_semaphore, #tpu.memory_space<semaphore_mem>>, %arg18: memref<2x!tpu.dma_semaphore, #tpu.memory_space<semaphore_mem>>) attributes {dimension_semantics = [#tpu.dimension_semantics<arbitrary>], iteration_bounds = array<i64: 24>, scalar_prefetch = 6 : i64, scratch_operands = 6 : i64, tpu.core_type = #tpu.core_type<tc>, window_params = [{transform_indices = @transform_0, window_bounds = array<i64: 256, 1024>}, {}, {}, {}, {transform_indices = @transform_4, window_bounds = array<i64: 8, 128>}, {transform_indices = @transform_5, window_bounds = array<i64: 256, 1024>}]} {
    %get3A = arith.index_cast %arg0 : i32 to index
    %get3A_0 = memref.load %arg4[%get3A] : memref<24xi32, #tpu.memory_space<smem>>
    %eq3A = arith.constant 0 : i32
    %eq3A_1 = arith.cmpi eq, %arg0, %eq3A : i32
    %convert_element_type3A = arith.extui %eq3A_1 : i1 to i32
    %cond3A = arith.constant 0 : i32
    %cond3A_2 = arith.cmpi ne, %convert_element_type3A, %cond3A : i32
    scf.if %cond3A_2 {
      %get3A_30 = arith.constant 0 : index
      %get3A_31 = memref.load %arg1[%get3A_30] : memref<24xi32, #tpu.memory_space<smem>>
      %dma_start3A = arith.constant 0 : i32
      %dma_start3A_32 = arith.constant 0 : i32
      %dma_start3A_33 = tpu.memref_slice %arg16[%dma_start3A_32] : memref<2x!tpu.dma_semaphore, #tpu.memory_space<semaphore_mem>> -> memref<1x!tpu.dma_semaphore, #tpu.memory_space<semaphore_mem>>
      %dma_start3A_34 = tpu.memref_squeeze %dma_start3A_33 : memref<1x!tpu.dma_semaphore, #tpu.memory_space<semaphore_mem>> -> memref<!tpu.dma_semaphore, #tpu.memory_space<semaphore_mem>>
      %dma_start3A_35 = arith.constant 0 : i32
      %dma_start3A_36 = arith.constant 0 : i32
      %dma_start3A_37 = tpu.memref_slice %arg13[%dma_start3A, %dma_start3A_35, %dma_start3A_36] : memref<2x1024x1024xf32, #tpu.memory_space<vmem>> -> memref<1x1024x1024xf32, #tpu.memory_space<vmem>>
      %dma_start3A_38 = tpu.memref_squeeze %dma_start3A_37 : memref<1x1024x1024xf32, #tpu.memory_space<vmem>> -> memref<1024x1024xf32, #tpu.memory_space<vmem>>
      %dma_start3A_39 = arith.constant 0 : i32
      %dma_start3A_40 = arith.constant 0 : i32
      %dma_start3A_41 = tpu.memref_slice %arg8[%get3A_31, %dma_start3A_39, %dma_start3A_40] : memref<8x1024x1024xf32, #tpu.memory_space<any>> -> memref<1x1024x1024xf32, #tpu.memory_space<any>>
      %dma_start3A_42 = tpu.memref_squeeze %dma_start3A_41 : memref<1x1024x1024xf32, #tpu.memory_space<any>> -> memref<1024x1024xf32, #tpu.memory_space<any>>
      tpu.enqueue_dma source(%dma_start3A_42 : memref<1024x1024xf32, #tpu.memory_space<any>>) target(%dma_start3A_38 : memref<1024x1024xf32, #tpu.memory_space<vmem>>) target_semaphore(%dma_start3A_34 : memref<!tpu.dma_semaphore, #tpu.memory_space<semaphore_mem>>)
      %dma_start3A_43 = arith.constant 0 : i32
      %dma_start3A_44 = arith.constant 0 : i32
      %dma_start3A_45 = tpu.memref_slice %arg17[%dma_start3A_44] : memref<2x!tpu.dma_semaphore, #tpu.memory_space<semaphore_mem>> -> memref<1x!tpu.dma_semaphore, #tpu.memory_space<semaphore_mem>>
      %dma_start3A_46 = tpu.memref_squeeze %dma_start3A_45 : memref<1x!tpu.dma_semaphore, #tpu.memory_space<semaphore_mem>> -> memref<!tpu.dma_semaphore, #tpu.memory_space<semaphore_mem>>
      %dma_start3A_47 = arith.constant 0 : i32
      %dma_start3A_48 = arith.constant 0 : i32
      %dma_start3A_49 = tpu.memref_slice %arg14[%dma_start3A_43, %dma_start3A_47, %dma_start3A_48] : memref<2x1024x1024xf32, #tpu.memory_space<vmem>> -> memref<1x1024x1024xf32, #tpu.memory_space<vmem>>
      %dma_start3A_50 = tpu.memref_squeeze %dma_start3A_49 : memref<1x1024x1024xf32, #tpu.memory_space<vmem>> -> memref<1024x1024xf32, #tpu.memory_space<vmem>>
      %dma_start3A_51 = arith.constant 0 : i32
      %dma_start3A_52 = arith.constant 0 : i32
      %dma_start3A_53 = tpu.memref_slice %arg9[%get3A_31, %dma_start3A_51, %dma_start3A_52] : memref<8x1024x1024xf32, #tpu.memory_space<any>> -> memref<1x1024x1024xf32, #tpu.memory_space<any>>
      %dma_start3A_54 = tpu.memref_squeeze %dma_start3A_53 : memref<1x1024x1024xf32, #tpu.memory_space<any>> -> memref<1024x1024xf32, #tpu.memory_space<any>>
      tpu.enqueue_dma source(%dma_start3A_54 : memref<1024x1024xf32, #tpu.memory_space<any>>) target(%dma_start3A_50 : memref<1024x1024xf32, #tpu.memory_space<vmem>>) target_semaphore(%dma_start3A_46 : memref<!tpu.dma_semaphore, #tpu.memory_space<semaphore_mem>>)
      %dma_start3A_55 = arith.constant 0 : i32
      %dma_start3A_56 = arith.constant 0 : i32
      %dma_start3A_57 = tpu.memref_slice %arg18[%dma_start3A_56] : memref<2x!tpu.dma_semaphore, #tpu.memory_space<semaphore_mem>> -> memref<1x!tpu.dma_semaphore, #tpu.memory_space<semaphore_mem>>
      %dma_start3A_58 = tpu.memref_squeeze %dma_start3A_57 : memref<1x!tpu.dma_semaphore, #tpu.memory_space<semaphore_mem>> -> memref<!tpu.dma_semaphore, #tpu.memory_space<semaphore_mem>>
      %dma_start3A_59 = arith.constant 0 : i32
      %dma_start3A_60 = arith.constant 0 : i32
      %dma_start3A_61 = tpu.memref_slice %arg15[%dma_start3A_55, %dma_start3A_59, %dma_start3A_60] : memref<2x1024x1024xf32, #tpu.memory_space<vmem>> -> memref<1x1024x1024xf32, #tpu.memory_space<vmem>>
      %dma_start3A_62 = tpu.memref_squeeze %dma_start3A_61 : memref<1x1024x1024xf32, #tpu.memory_space<vmem>> -> memref<1024x1024xf32, #tpu.memory_space<vmem>>
      %dma_start3A_63 = arith.constant 0 : i32
      %dma_start3A_64 = arith.constant 0 : i32
      %dma_start3A_65 = tpu.memref_slice %arg10[%get3A_31, %dma_start3A_63, %dma_start3A_64] : memref<8x1024x1024xf32, #tpu.memory_space<any>> -> memref<1x1024x1024xf32, #tpu.memory_space<any>>
      %dma_start3A_66 = tpu.memref_squeeze %dma_start3A_65 : memref<1x1024x1024xf32, #tpu.memory_space<any>> -> memref<1024x1024xf32, #tpu.memory_space<any>>
      tpu.enqueue_dma source(%dma_start3A_66 : memref<1024x1024xf32, #tpu.memory_space<any>>) target(%dma_start3A_62 : memref<1024x1024xf32, #tpu.memory_space<vmem>>) target_semaphore(%dma_start3A_58 : memref<!tpu.dma_semaphore, #tpu.memory_space<semaphore_mem>>)
      %dma_wait3A = arith.constant 0 : i32
      %dma_wait3A_67 = arith.constant 0 : i32
      %dma_wait3A_68 = tpu.memref_slice %arg16[%dma_wait3A_67] : memref<2x!tpu.dma_semaphore, #tpu.memory_space<semaphore_mem>> -> memref<1x!tpu.dma_semaphore, #tpu.memory_space<semaphore_mem>>
      %dma_wait3A_69 = tpu.memref_squeeze %dma_wait3A_68 : memref<1x!tpu.dma_semaphore, #tpu.memory_space<semaphore_mem>> -> memref<!tpu.dma_semaphore, #tpu.memory_space<semaphore_mem>>
      %dma_wait3A_70 = arith.constant 0 : i32
      %dma_wait3A_71 = arith.constant 0 : i32
      %dma_wait3A_72 = tpu.memref_slice %arg13[%dma_wait3A, %dma_wait3A_70, %dma_wait3A_71] : memref<2x1024x1024xf32, #tpu.memory_space<vmem>> -> memref<1x1024x1024xf32, #tpu.memory_space<vmem>>
      %dma_wait3A_73 = tpu.memref_squeeze %dma_wait3A_72 : memref<1x1024x1024xf32, #tpu.memory_space<vmem>> -> memref<1024x1024xf32, #tpu.memory_space<vmem>>
      %dma_wait3A_74 = arith.constant 0 : i32
      %dma_wait3A_75 = arith.constant 0 : i32
      %dma_wait3A_76 = tpu.memref_slice %arg8[%get3A_31, %dma_wait3A_74, %dma_wait3A_75] : memref<8x1024x1024xf32, #tpu.memory_space<any>> -> memref<1x1024x1024xf32, #tpu.memory_space<any>>
      %dma_wait3A_77 = tpu.memref_squeeze %dma_wait3A_76 : memref<1x1024x1024xf32, #tpu.memory_space<any>> -> memref<1024x1024xf32, #tpu.memory_space<any>>
      tpu.wait_dma2 semaphore(%dma_wait3A_69 : memref<!tpu.dma_semaphore, #tpu.memory_space<semaphore_mem>>) src(%dma_wait3A_77 : memref<1024x1024xf32, #tpu.memory_space<any>>) dst(%dma_wait3A_73 : memref<1024x1024xf32, #tpu.memory_space<vmem>>)
      %dma_wait3A_78 = arith.constant 0 : i32
      %dma_wait3A_79 = arith.constant 0 : i32
      %dma_wait3A_80 = tpu.memref_slice %arg17[%dma_wait3A_79] : memref<2x!tpu.dma_semaphore, #tpu.memory_space<semaphore_mem>> -> memref<1x!tpu.dma_semaphore, #tpu.memory_space<semaphore_mem>>
      %dma_wait3A_81 = tpu.memref_squeeze %dma_wait3A_80 : memref<1x!tpu.dma_semaphore, #tpu.memory_space<semaphore_mem>> -> memref<!tpu.dma_semaphore, #tpu.memory_space<semaphore_mem>>
      %dma_wait3A_82 = arith.constant 0 : i32
      %dma_wait3A_83 = arith.constant 0 : i32
      %dma_wait3A_84 = tpu.memref_slice %arg14[%dma_wait3A_78, %dma_wait3A_82, %dma_wait3A_83] : memref<2x1024x1024xf32, #tpu.memory_space<vmem>> -> memref<1x1024x1024xf32, #tpu.memory_space<vmem>>
      %dma_wait3A_85 = tpu.memref_squeeze %dma_wait3A_84 : memref<1x1024x1024xf32, #tpu.memory_space<vmem>> -> memref<1024x1024xf32, #tpu.memory_space<vmem>>
      %dma_wait3A_86 = arith.constant 0 : i32
      %dma_wait3A_87 = arith.constant 0 : i32
      %dma_wait3A_88 = tpu.memref_slice %arg9[%get3A_31, %dma_wait3A_86, %dma_wait3A_87] : memref<8x1024x1024xf32, #tpu.memory_space<any>> -> memref<1x1024x1024xf32, #tpu.memory_space<any>>
      %dma_wait3A_89 = tpu.memref_squeeze %dma_wait3A_88 : memref<1x1024x1024xf32, #tpu.memory_space<any>> -> memref<1024x1024xf32, #tpu.memory_space<any>>
      tpu.wait_dma2 semaphore(%dma_wait3A_81 : memref<!tpu.dma_semaphore, #tpu.memory_space<semaphore_mem>>) src(%dma_wait3A_89 : memref<1024x1024xf32, #tpu.memory_space<any>>) dst(%dma_wait3A_85 : memref<1024x1024xf32, #tpu.memory_space<vmem>>)
      %dma_wait3A_90 = arith.constant 0 : i32
      %dma_wait3A_91 = arith.constant 0 : i32
      %dma_wait3A_92 = tpu.memref_slice %arg18[%dma_wait3A_91] : memref<2x!tpu.dma_semaphore, #tpu.memory_space<semaphore_mem>> -> memref<1x!tpu.dma_semaphore, #tpu.memory_space<semaphore_mem>>
      %dma_wait3A_93 = tpu.memref_squeeze %dma_wait3A_92 : memref<1x!tpu.dma_semaphore, #tpu.memory_space<semaphore_mem>> -> memref<!tpu.dma_semaphore, #tpu.memory_space<semaphore_mem>>
      %dma_wait3A_94 = arith.constant 0 : i32
      %dma_wait3A_95 = arith.constant 0 : i32
      %dma_wait3A_96 = tpu.memref_slice %arg15[%dma_wait3A_90, %dma_wait3A_94, %dma_wait3A_95] : memref<2x1024x1024xf32, #tpu.memory_space<vmem>> -> memref<1x1024x1024xf32, #tpu.memory_space<vmem>>
      %dma_wait3A_97 = tpu.memref_squeeze %dma_wait3A_96 : memref<1x1024x1024xf32, #tpu.memory_space<vmem>> -> memref<1024x1024xf32, #tpu.memory_space<vmem>>
      %dma_wait3A_98 = arith.constant 0 : i32
      %dma_wait3A_99 = arith.constant 0 : i32
      %dma_wait3A_100 = tpu.memref_slice %arg10[%get3A_31, %dma_wait3A_98, %dma_wait3A_99] : memref<8x1024x1024xf32, #tpu.memory_space<any>> -> memref<1x1024x1024xf32, #tpu.memory_space<any>>
      %dma_wait3A_101 = tpu.memref_squeeze %dma_wait3A_100 : memref<1x1024x1024xf32, #tpu.memory_space<any>> -> memref<1024x1024xf32, #tpu.memory_space<any>>
      tpu.wait_dma2 semaphore(%dma_wait3A_93 : memref<!tpu.dma_semaphore, #tpu.memory_space<semaphore_mem>>) src(%dma_wait3A_101 : memref<1024x1024xf32, #tpu.memory_space<any>>) dst(%dma_wait3A_97 : memref<1024x1024xf32, #tpu.memory_space<vmem>>)
    } else {
    }
    %gt3A = arith.constant 0 : i32
    %gt3A_3 = arith.cmpi sgt, %arg0, %gt3A : i32
    %get3A_4 = arith.index_cast %arg0 : i32 to index
    %get3A_5 = memref.load %arg3[%get3A_4] : memref<24xi32, #tpu.memory_space<smem>>
    %eq3A_6 = arith.constant 1 : i32
    %eq3A_7 = arith.cmpi eq, %get3A_5, %eq3A_6 : i32
    %and3A = arith.andi %gt3A_3, %eq3A_7 : i1
    %get3A_8 = arith.index_cast %arg0 : i32 to index
    %get3A_9 = memref.load %arg2[%get3A_8] : memref<24xi32, #tpu.memory_space<smem>>
    %eq3A_10 = arith.constant 1 : i32
    %eq3A_11 = arith.cmpi eq, %get3A_9, %eq3A_10 : i32
    %and3A_12 = arith.andi %and3A, %eq3A_11 : i1
    %convert_element_type3A_13 = arith.extui %and3A_12 : i1 to i32
    %cond3A_14 = arith.constant 0 : i32
    %cond3A_15 = arith.cmpi ne, %convert_element_type3A_13, %cond3A_14 : i32
    scf.if %cond3A_15 {
      %get3A_30 = arith.index_cast %arg0 : i32 to index
      %get3A_31 = memref.load %arg1[%get3A_30] : memref<24xi32, #tpu.memory_space<smem>>
      %dma_wait3A = tpu.memref_slice %arg16[%get3A_0] : memref<2x!tpu.dma_semaphore, #tpu.memory_space<semaphore_mem>> -> memref<1x!tpu.dma_semaphore, #tpu.memory_space<semaphore_mem>>
      %dma_wait3A_32 = tpu.memref_squeeze %dma_wait3A : memref<1x!tpu.dma_semaphore, #tpu.memory_space<semaphore_mem>> -> memref<!tpu.dma_semaphore, #tpu.memory_space<semaphore_mem>>
      %dma_wait3A_33 = arith.constant 0 : i32
      %dma_wait3A_34 = arith.constant 0 : i32
      %dma_wait3A_35 = tpu.memref_slice %arg13[%get3A_0, %dma_wait3A_33, %dma_wait3A_34] : memref<2x1024x1024xf32, #tpu.memory_space<vmem>> -> memref<1x1024x1024xf32, #tpu.memory_space<vmem>>
      %dma_wait3A_36 = tpu.memref_squeeze %dma_wait3A_35 : memref<1x1024x1024xf32, #tpu.memory_space<vmem>> -> memref<1024x1024xf32, #tpu.memory_space<vmem>>
      %dma_wait3A_37 = arith.constant 0 : i32
      %dma_wait3A_38 = arith.constant 0 : i32
      %dma_wait3A_39 = tpu.memref_slice %arg8[%get3A_31, %dma_wait3A_37, %dma_wait3A_38] : memref<8x1024x1024xf32, #tpu.memory_space<any>> -> memref<1x1024x1024xf32, #tpu.memory_space<any>>
      %dma_wait3A_40 = tpu.memref_squeeze %dma_wait3A_39 : memref<1x1024x1024xf32, #tpu.memory_space<any>> -> memref<1024x1024xf32, #tpu.memory_space<any>>
      tpu.wait_dma2 semaphore(%dma_wait3A_32 : memref<!tpu.dma_semaphore, #tpu.memory_space<semaphore_mem>>) src(%dma_wait3A_40 : memref<1024x1024xf32, #tpu.memory_space<any>>) dst(%dma_wait3A_36 : memref<1024x1024xf32, #tpu.memory_space<vmem>>)
      %dma_wait3A_41 = tpu.memref_slice %arg17[%get3A_0] : memref<2x!tpu.dma_semaphore, #tpu.memory_space<semaphore_mem>> -> memref<1x!tpu.dma_semaphore, #tpu.memory_space<semaphore_mem>>
      %dma_wait3A_42 = tpu.memref_squeeze %dma_wait3A_41 : memref<1x!tpu.dma_semaphore, #tpu.memory_space<semaphore_mem>> -> memref<!tpu.dma_semaphore, #tpu.memory_space<semaphore_mem>>
      %dma_wait3A_43 = arith.constant 0 : i32
      %dma_wait3A_44 = arith.constant 0 : i32
      %dma_wait3A_45 = tpu.memref_slice %arg14[%get3A_0, %dma_wait3A_43, %dma_wait3A_44] : memref<2x1024x1024xf32, #tpu.memory_space<vmem>> -> memref<1x1024x1024xf32, #tpu.memory_space<vmem>>
      %dma_wait3A_46 = tpu.memref_squeeze %dma_wait3A_45 : memref<1x1024x1024xf32, #tpu.memory_space<vmem>> -> memref<1024x1024xf32, #tpu.memory_space<vmem>>
      %dma_wait3A_47 = arith.constant 0 : i32
      %dma_wait3A_48 = arith.constant 0 : i32
      %dma_wait3A_49 = tpu.memref_slice %arg9[%get3A_31, %dma_wait3A_47, %dma_wait3A_48] : memref<8x1024x1024xf32, #tpu.memory_space<any>> -> memref<1x1024x1024xf32, #tpu.memory_space<any>>
      %dma_wait3A_50 = tpu.memref_squeeze %dma_wait3A_49 : memref<1x1024x1024xf32, #tpu.memory_space<any>> -> memref<1024x1024xf32, #tpu.memory_space<any>>
      tpu.wait_dma2 semaphore(%dma_wait3A_42 : memref<!tpu.dma_semaphore, #tpu.memory_space<semaphore_mem>>) src(%dma_wait3A_50 : memref<1024x1024xf32, #tpu.memory_space<any>>) dst(%dma_wait3A_46 : memref<1024x1024xf32, #tpu.memory_space<vmem>>)
      %dma_wait3A_51 = tpu.memref_slice %arg18[%get3A_0] : memref<2x!tpu.dma_semaphore, #tpu.memory_space<semaphore_mem>> -> memref<1x!tpu.dma_semaphore, #tpu.memory_space<semaphore_mem>>
      %dma_wait3A_52 = tpu.memref_squeeze %dma_wait3A_51 : memref<1x!tpu.dma_semaphore, #tpu.memory_space<semaphore_mem>> -> memref<!tpu.dma_semaphore, #tpu.memory_space<semaphore_mem>>
      %dma_wait3A_53 = arith.constant 0 : i32
      %dma_wait3A_54 = arith.constant 0 : i32
      %dma_wait3A_55 = tpu.memref_slice %arg15[%get3A_0, %dma_wait3A_53, %dma_wait3A_54] : memref<2x1024x1024xf32, #tpu.memory_space<vmem>> -> memref<1x1024x1024xf32, #tpu.memory_space<vmem>>
      %dma_wait3A_56 = tpu.memref_squeeze %dma_wait3A_55 : memref<1x1024x1024xf32, #tpu.memory_space<vmem>> -> memref<1024x1024xf32, #tpu.memory_space<vmem>>
      %dma_wait3A_57 = arith.constant 0 : i32
      %dma_wait3A_58 = arith.constant 0 : i32
      %dma_wait3A_59 = tpu.memref_slice %arg10[%get3A_31, %dma_wait3A_57, %dma_wait3A_58] : memref<8x1024x1024xf32, #tpu.memory_space<any>> -> memref<1x1024x1024xf32, #tpu.memory_space<any>>
      %dma_wait3A_60 = tpu.memref_squeeze %dma_wait3A_59 : memref<1x1024x1024xf32, #tpu.memory_space<any>> -> memref<1024x1024xf32, #tpu.memory_space<any>>
      tpu.wait_dma2 semaphore(%dma_wait3A_52 : memref<!tpu.dma_semaphore, #tpu.memory_space<semaphore_mem>>) src(%dma_wait3A_60 : memref<1024x1024xf32, #tpu.memory_space<any>>) dst(%dma_wait3A_56 : memref<1024x1024xf32, #tpu.memory_space<vmem>>)
    } else {
    }
    %get3A_16 = arith.index_cast %arg0 : i32 to index
    %get3A_17 = memref.load %arg6[%get3A_16] : memref<24xi32, #tpu.memory_space<smem>>
    %eq3A_18 = arith.constant 1 : i32
    %eq3A_19 = arith.cmpi eq, %get3A_17, %eq3A_18 : i32
    %convert_element_type3A_20 = arith.extui %eq3A_19 : i1 to i32
    %cond3A_21 = arith.constant 0 : i32
    %cond3A_22 = arith.cmpi ne, %convert_element_type3A_20, %cond3A_21 : i32
    scf.if %cond3A_22 {
      %get3A_30 = arith.index_cast %arg0 : i32 to index
      %get3A_31 = memref.load %arg5[%get3A_30] : memref<24xi32, #tpu.memory_space<smem>>
      %sub3A = arith.constant 1 : i32
      %sub3A_32 = arith.subi %sub3A, %get3A_0 : i32
      %dma_start3A = tpu.memref_slice %arg16[%sub3A_32] : memref<2x!tpu.dma_semaphore, #tpu.memory_space<semaphore_mem>> -> memref<1x!tpu.dma_semaphore, #tpu.memory_space<semaphore_mem>>
      %dma_start3A_33 = tpu.memref_squeeze %dma_start3A : memref<1x!tpu.dma_semaphore, #tpu.memory_space<semaphore_mem>> -> memref<!tpu.dma_semaphore, #tpu.memory_space<semaphore_mem>>
      %dma_start3A_34 = arith.constant 0 : i32
      %dma_start3A_35 = arith.constant 0 : i32
      %dma_start3A_36 = tpu.memref_slice %arg13[%sub3A_32, %dma_start3A_34, %dma_start3A_35] : memref<2x1024x1024xf32, #tpu.memory_space<vmem>> -> memref<1x1024x1024xf32, #tpu.memory_space<vmem>>
      %dma_start3A_37 = tpu.memref_squeeze %dma_start3A_36 : memref<1x1024x1024xf32, #tpu.memory_space<vmem>> -> memref<1024x1024xf32, #tpu.memory_space<vmem>>
      %dma_start3A_38 = arith.constant 0 : i32
      %dma_start3A_39 = arith.constant 0 : i32
      %dma_start3A_40 = tpu.memref_slice %arg8[%get3A_31, %dma_start3A_38, %dma_start3A_39] : memref<8x1024x1024xf32, #tpu.memory_space<any>> -> memref<1x1024x1024xf32, #tpu.memory_space<any>>
      %dma_start3A_41 = tpu.memref_squeeze %dma_start3A_40 : memref<1x1024x1024xf32, #tpu.memory_space<any>> -> memref<1024x1024xf32, #tpu.memory_space<any>>
      tpu.enqueue_dma source(%dma_start3A_41 : memref<1024x1024xf32, #tpu.memory_space<any>>) target(%dma_start3A_37 : memref<1024x1024xf32, #tpu.memory_space<vmem>>) target_semaphore(%dma_start3A_33 : memref<!tpu.dma_semaphore, #tpu.memory_space<semaphore_mem>>)
      %dma_start3A_42 = tpu.memref_slice %arg17[%sub3A_32] : memref<2x!tpu.dma_semaphore, #tpu.memory_space<semaphore_mem>> -> memref<1x!tpu.dma_semaphore, #tpu.memory_space<semaphore_mem>>
      %dma_start3A_43 = tpu.memref_squeeze %dma_start3A_42 : memref<1x!tpu.dma_semaphore, #tpu.memory_space<semaphore_mem>> -> memref<!tpu.dma_semaphore, #tpu.memory_space<semaphore_mem>>
      %dma_start3A_44 = arith.constant 0 : i32
      %dma_start3A_45 = arith.constant 0 : i32
      %dma_start3A_46 = tpu.memref_slice %arg14[%sub3A_32, %dma_start3A_44, %dma_start3A_45] : memref<2x1024x1024xf32, #tpu.memory_space<vmem>> -> memref<1x1024x1024xf32, #tpu.memory_space<vmem>>
      %dma_start3A_47 = tpu.memref_squeeze %dma_start3A_46 : memref<1x1024x1024xf32, #tpu.memory_space<vmem>> -> memref<1024x1024xf32, #tpu.memory_space<vmem>>
      %dma_start3A_48 = arith.constant 0 : i32
      %dma_start3A_49 = arith.constant 0 : i32
      %dma_start3A_50 = tpu.memref_slice %arg9[%get3A_31, %dma_start3A_48, %dma_start3A_49] : memref<8x1024x1024xf32, #tpu.memory_space<any>> -> memref<1x1024x1024xf32, #tpu.memory_space<any>>
      %dma_start3A_51 = tpu.memref_squeeze %dma_start3A_50 : memref<1x1024x1024xf32, #tpu.memory_space<any>> -> memref<1024x1024xf32, #tpu.memory_space<any>>
      tpu.enqueue_dma source(%dma_start3A_51 : memref<1024x1024xf32, #tpu.memory_space<any>>) target(%dma_start3A_47 : memref<1024x1024xf32, #tpu.memory_space<vmem>>) target_semaphore(%dma_start3A_43 : memref<!tpu.dma_semaphore, #tpu.memory_space<semaphore_mem>>)
      %dma_start3A_52 = tpu.memref_slice %arg18[%sub3A_32] : memref<2x!tpu.dma_semaphore, #tpu.memory_space<semaphore_mem>> -> memref<1x!tpu.dma_semaphore, #tpu.memory_space<semaphore_mem>>
      %dma_start3A_53 = tpu.memref_squeeze %dma_start3A_52 : memref<1x!tpu.dma_semaphore, #tpu.memory_space<semaphore_mem>> -> memref<!tpu.dma_semaphore, #tpu.memory_space<semaphore_mem>>
      %dma_start3A_54 = arith.constant 0 : i32
      %dma_start3A_55 = arith.constant 0 : i32
      %dma_start3A_56 = tpu.memref_slice %arg15[%sub3A_32, %dma_start3A_54, %dma_start3A_55] : memref<2x1024x1024xf32, #tpu.memory_space<vmem>> -> memref<1x1024x1024xf32, #tpu.memory_space<vmem>>
      %dma_start3A_57 = tpu.memref_squeeze %dma_start3A_56 : memref<1x1024x1024xf32, #tpu.memory_space<vmem>> -> memref<1024x1024xf32, #tpu.memory_space<vmem>>
      %dma_start3A_58 = arith.constant 0 : i32
      %dma_start3A_59 = arith.constant 0 : i32
      %dma_start3A_60 = tpu.memref_slice %arg10[%get3A_31, %dma_start3A_58, %dma_start3A_59] : memref<8x1024x1024xf32, #tpu.memory_space<any>> -> memref<1x1024x1024xf32, #tpu.memory_space<any>>
      %dma_start3A_61 = tpu.memref_squeeze %dma_start3A_60 : memref<1x1024x1024xf32, #tpu.memory_space<any>> -> memref<1024x1024xf32, #tpu.memory_space<any>>
      tpu.enqueue_dma source(%dma_start3A_61 : memref<1024x1024xf32, #tpu.memory_space<any>>) target(%dma_start3A_57 : memref<1024x1024xf32, #tpu.memory_space<vmem>>) target_semaphore(%dma_start3A_53 : memref<!tpu.dma_semaphore, #tpu.memory_space<semaphore_mem>>)
    } else {
    }
    %get3A_23 = arith.index_cast %arg0 : i32 to index
    %get3A_24 = memref.load %arg2[%get3A_23] : memref<24xi32, #tpu.memory_space<smem>>
    %eq3A_25 = arith.constant 1 : i32
    %eq3A_26 = arith.cmpi eq, %get3A_24, %eq3A_25 : i32
    %convert_element_type3A_27 = arith.extui %eq3A_26 : i1 to i32
    %cond3A_28 = arith.constant 0 : i32
    %cond3A_29 = arith.cmpi ne, %convert_element_type3A_27, %cond3A_28 : i32
    scf.if %cond3A_29 {
      %get3A_30 = arith.constant 0 : index
      %get3A_31 = arith.constant 0 : index
      %get3A_32 = vector.load %arg7[%get3A_30, %get3A_31] : memref<256x1024xf32, #tpu.memory_space<vmem>>, vector<256x1024xf32>
      %get3A_33 = arith.index_cast %get3A_0 : i32 to index
      %get3A_34 = arith.constant 0 : index
      %get3A_35 = arith.constant 0 : index
      %get3A_36 = vector.load %arg13[%get3A_33, %get3A_34, %get3A_35] : memref<2x1024x1024xf32, #tpu.memory_space<vmem>>, vector<1x1024x1024xf32>
      %get3A_37 = vector.shape_cast %get3A_36 : vector<1x1024x1024xf32> to vector<1024x1024xf32>
      %dot_general3A = arith.constant dense<0.000000e+00> : vector<256x1024xf32>
      %dot_general3A_38 = tpu.matmul %get3A_32, %get3A_37, %dot_general3A {dimension_numbers = #tpu.dot_dimension_numbers<[1], [1], [0], [0], [0, 0, 1, 0], [], []>, transpose_lhs_hint = false} : vector<256x1024xf32>, vector<1024x1024xf32>, vector<256x1024xf32> -> vector<256x1024xf32>
      %get3A_39 = arith.index_cast %get3A_0 : i32 to index
      %get3A_40 = arith.constant 0 : index
      %get3A_41 = arith.constant 0 : index
      %get3A_42 = vector.load %arg14[%get3A_39, %get3A_40, %get3A_41] : memref<2x1024x1024xf32, #tpu.memory_space<vmem>>, vector<1x1024x1024xf32>
      %get3A_43 = vector.shape_cast %get3A_42 : vector<1x1024x1024xf32> to vector<1024x1024xf32>
      %dot_general3A_44 = arith.constant dense<0.000000e+00> : vector<256x1024xf32>
      %dot_general3A_45 = tpu.matmul %get3A_32, %get3A_43, %dot_general3A_44 {dimension_numbers = #tpu.dot_dimension_numbers<[1], [1], [0], [0], [0, 0, 1, 0], [], []>, transpose_lhs_hint = false} : vector<256x1024xf32>, vector<1024x1024xf32>, vector<256x1024xf32> -> vector<256x1024xf32>
      %logistic3A = arith.negf %dot_general3A_38 : vector<256x1024xf32>
      %logistic3A_46 = math.exp %logistic3A : vector<256x1024xf32>
      %logistic3A_47 = arith.constant 1.000000e+00 : f32
      %logistic3A_48 = vector.broadcast %logistic3A_47 : f32 to vector<256x1024xf32>
      %logistic3A_49 = arith.addf %logistic3A_48, %logistic3A_46 : vector<256x1024xf32>
      %logistic3A_50 = arith.divf %logistic3A_48, %logistic3A_49 : vector<256x1024xf32>
      %mul3A = arith.mulf %dot_general3A_38, %logistic3A_50 : vector<256x1024xf32>
      %mul3A_51 = arith.mulf %mul3A, %dot_general3A_45 : vector<256x1024xf32>
      %get3A_52 = arith.index_cast %get3A_0 : i32 to index
      %get3A_53 = arith.constant 0 : index
      %get3A_54 = arith.constant 0 : index
      %get3A_55 = vector.load %arg15[%get3A_52, %get3A_53, %get3A_54] : memref<2x1024x1024xf32, #tpu.memory_space<vmem>>, vector<1x1024x1024xf32>
      %get3A_56 = vector.shape_cast %get3A_55 : vector<1x1024x1024xf32> to vector<1024x1024xf32>
      %dot_general3A_57 = arith.constant dense<0.000000e+00> : vector<256x1024xf32>
      %dot_general3A_58 = tpu.matmul %mul3A_51, %get3A_56, %dot_general3A_57 {dimension_numbers = #tpu.dot_dimension_numbers<[1], [1], [0], [0], [0, 0, 1, 0], [], []>, transpose_lhs_hint = false} : vector<256x1024xf32>, vector<1024x1024xf32>, vector<256x1024xf32> -> vector<256x1024xf32>
      %swap3A = arith.constant 0 : index
      %swap3A_59 = arith.constant 0 : index
      %swap3A_60 = vector.load %arg12[%swap3A, %swap3A_59] : memref<256x1024xf32, #tpu.memory_space<vmem>>, vector<256x1024xf32>
      tpu.vector_store %arg12[%swap3A, %swap3A_59], %dot_general3A_58 {strides = array<i32>} : memref<256x1024xf32, #tpu.memory_space<vmem>>, vector<256x1024xf32>,
    } else {
    }
    return
  }
  func.func @transform_0(%arg0: i32, %arg1: memref<24xi32, #tpu.memory_space<smem>>, %arg2: memref<24xi32, #tpu.memory_space<smem>>, %arg3: memref<24xi32, #tpu.memory_space<smem>>, %arg4: memref<24xi32, #tpu.memory_space<smem>>, %arg5: memref<24xi32, #tpu.memory_space<smem>>, %arg6: memref<24xi32, #tpu.memory_space<smem>>) -> (i32, i32) {
    %c0_i32 = arith.constant 0 : i32
    %c0_i32_0 = arith.constant 0 : i32
    return %arg0, %c0_i32 : i32, i32
  }
  func.func @transform_4(%arg0: i32, %arg1: memref<24xi32, #tpu.memory_space<smem>>, %arg2: memref<24xi32, #tpu.memory_space<smem>>, %arg3: memref<24xi32, #tpu.memory_space<smem>>, %arg4: memref<24xi32, #tpu.memory_space<smem>>, %arg5: memref<24xi32, #tpu.memory_space<smem>>, %arg6: memref<24xi32, #tpu.memory_space<smem>>) -> (i32, i32) {
    %c0_i32 = arith.constant 0 : i32
    %c0_i32_0 = arith.constant 0 : i32
    %c0_i32_1 = arith.constant 0 : i32
    return %c0_i32, %c0_i32_0 : i32, i32
  }
  func.func @transform_5(%arg0: i32, %arg1: memref<24xi32, #tpu.memory_space<smem>>, %arg2: memref<24xi32, #tpu.memory_space<smem>>, %arg3: memref<24xi32, #tpu.memory_space<smem>>, %arg4: memref<24xi32, #tpu.memory_space<smem>>, %arg5: memref<24xi32, #tpu.memory_space<smem>>, %arg6: memref<24xi32, #tpu.memory_space<smem>>) -> (i32, i32) {
    %c0_i32 = arith.constant 0 : i32
    %c0_i32_0 = arith.constant 0 : i32
    return %arg0, %c0_i32 : i32, i32
  }
}

module attributes {stable_mosaic.version = 14 : i64} {
  func.func @_router_body(%arg0: memref<2048x1024xf32, #tpu.memory_space<vmem>>, %arg1: memref<1024x8xf32, #tpu.memory_space<vmem>>, %arg2: memref<2048x2xf32, #tpu.memory_space<vmem>>, %arg3: memref<2048x2xi32, #tpu.memory_space<vmem>>, %arg4: memref<24x1xi32, #tpu.memory_space<vmem>>, %arg5: memref<24x1xi32, #tpu.memory_space<vmem>>, %arg6: memref<24x1xi32, #tpu.memory_space<vmem>>, %arg7: memref<24x1xi32, #tpu.memory_space<vmem>>, %arg8: memref<24x1xi32, #tpu.memory_space<vmem>>, %arg9: memref<24x1xi32, #tpu.memory_space<vmem>>, %arg10: memref<1x8xf32, #tpu.memory_space<vmem>>, %arg11: memref<1x8xf32, #tpu.memory_space<vmem>>) attributes {dimension_semantics = [], scalar_prefetch = 0 : i64, scratch_operands = 0 : i64, tpu.core_type = #tpu.core_type<tc>} {
    %get3A = arith.constant 0 : index
    %get3A_0 = arith.constant 0 : index
    %get3A_1 = vector.load %arg0[%get3A, %get3A_0] : memref<2048x1024xf32, #tpu.memory_space<vmem>>, vector<2048x1024xf32>
    %get3A_2 = arith.constant 0 : index
    %get3A_3 = arith.constant 0 : index
    %get3A_4 = vector.load %arg1[%get3A_2, %get3A_3] : memref<1024x8xf32, #tpu.memory_space<vmem>>, vector<1024x8xf32>
    %dot_general3A = arith.constant dense<0.000000e+00> : vector<2048x8xf32>
    %dot_general3A_5 = tpu.matmul %get3A_1, %get3A_4, %dot_general3A {dimension_numbers = #tpu.dot_dimension_numbers<[1], [0], [0], [1], [0, 0, 1, 1], [], []>, transpose_lhs_hint = false} : vector<2048x1024xf32>, vector<1024x8xf32>, vector<2048x8xf32> -> vector<2048x8xf32>
    %reduce_max3A = arith.constant dense<0xFF800000> : vector<2048xf32>
    %reduce_max3A_6 = vector.multi_reduction <maximumf>, %dot_general3A_5, %reduce_max3A [1] : vector<2048x8xf32> to vector<2048xf32>
    %broadcast_in_dim3A = vector.shape_cast %reduce_max3A_6 : vector<2048xf32> to vector<2048x1xf32>
    %sub3A = vector.broadcast %broadcast_in_dim3A : vector<2048x1xf32> to vector<2048x8xf32>
    %sub3A_7 = arith.subf %dot_general3A_5, %sub3A : vector<2048x8xf32>
    %exp3A = math.exp %sub3A_7 : vector<2048x8xf32>
    %reduce_sum3A = arith.constant dense<0.000000e+00> : vector<2048xf32>
    %reduce_sum3A_8 = vector.multi_reduction <add>, %exp3A, %reduce_sum3A [1] : vector<2048x8xf32> to vector<2048xf32>
    %broadcast_in_dim3A_9 = vector.shape_cast %reduce_sum3A_8 : vector<2048xf32> to vector<2048x1xf32>
    %div3A = vector.broadcast %broadcast_in_dim3A_9 : vector<2048x1xf32> to vector<2048x8xf32>
    %div3A_10 = arith.divf %exp3A, %div3A : vector<2048x8xf32>
    %iota3A = tpu.iota {dimensions = array<i32: 1>} : vector<2048x8xi32>
    %reduce_max3A_11 = arith.constant dense<0xFF800000> : vector<2048xf32>
    %reduce_max3A_12 = vector.multi_reduction <maximumf>, %div3A_10, %reduce_max3A_11 [1] : vector<2048x8xf32> to vector<2048xf32>
    %broadcast_in_dim3A_13 = vector.shape_cast %reduce_max3A_12 : vector<2048xf32> to vector<2048x1xf32>
    %eq3A = vector.broadcast %broadcast_in_dim3A_13 : vector<2048x1xf32> to vector<2048x8xf32>
    %eq3A_14 = arith.cmpf oeq, %div3A_10, %eq3A : vector<2048x8xf32>
    %jit3A = arith.constant 8 : i32
    %broadcast_in_dim3A_15 = vector.broadcast %jit3A : i32 to vector<2048x8xi32>
    %select_n3A = arith.select %eq3A_14, %iota3A, %broadcast_in_dim3A_15 : vector<2048x8xi1>, vector<2048x8xi32>
    %reduce_min3A = arith.constant dense<2147483647> : vector<2048xi32>
    %reduce_min3A_16 = vector.multi_reduction <minsi>, %select_n3A, %reduce_min3A [1] : vector<2048x8xi32> to vector<2048xi32>
    %broadcast_in_dim3A_17 = vector.shape_cast %reduce_min3A_16 : vector<2048xi32> to vector<2048x1xi32>
    %eq3A_18 = vector.broadcast %broadcast_in_dim3A_17 : vector<2048x1xi32> to vector<2048x8xi32>
    %eq3A_19 = arith.cmpi eq, %iota3A, %eq3A_18 : vector<2048x8xi32>
    %jit3A_20 = arith.constant 0xFF800000 : f32
    %broadcast_in_dim3A_21 = vector.broadcast %jit3A_20 : f32 to vector<2048x8xf32>
    %select_n3A_22 = arith.select %eq3A_19, %broadcast_in_dim3A_21, %div3A_10 : vector<2048x8xi1>, vector<2048x8xf32>
    %reduce_max3A_23 = arith.constant dense<0xFF800000> : vector<2048xf32>
    %reduce_max3A_24 = vector.multi_reduction <maximumf>, %select_n3A_22, %reduce_max3A_23 [1] : vector<2048x8xf32> to vector<2048xf32>
    %broadcast_in_dim3A_25 = vector.shape_cast %reduce_max3A_24 : vector<2048xf32> to vector<2048x1xf32>
    %eq3A_26 = vector.broadcast %broadcast_in_dim3A_25 : vector<2048x1xf32> to vector<2048x8xf32>
    %eq3A_27 = arith.cmpf oeq, %select_n3A_22, %eq3A_26 : vector<2048x8xf32>
    %jit3A_28 = arith.constant 8 : i32
    %broadcast_in_dim3A_29 = vector.broadcast %jit3A_28 : i32 to vector<2048x8xi32>
    %select_n3A_30 = arith.select %eq3A_27, %iota3A, %broadcast_in_dim3A_29 : vector<2048x8xi1>, vector<2048x8xi32>
    %reduce_min3A_31 = arith.constant dense<2147483647> : vector<2048xi32>
    %reduce_min3A_32 = vector.multi_reduction <minsi>, %select_n3A_30, %reduce_min3A_31 [1] : vector<2048x8xi32> to vector<2048xi32>
    %broadcast_in_dim3A_33 = vector.shape_cast %reduce_min3A_32 : vector<2048xi32> to vector<2048x1xi32>
    %eq3A_34 = vector.broadcast %broadcast_in_dim3A_33 : vector<2048x1xi32> to vector<2048x8xi32>
    %eq3A_35 = arith.cmpi eq, %iota3A, %eq3A_34 : vector<2048x8xi32>
    %convert_element_type3A = arith.extui %eq3A_19 : vector<2048x8xi1> to vector<2048x8xi32>
    %convert_element_type3A_36 = arith.sitofp %convert_element_type3A : vector<2048x8xi32> to vector<2048x8xf32>
    %convert_element_type3A_37 = arith.extui %eq3A_35 : vector<2048x8xi1> to vector<2048x8xi32>
    %convert_element_type3A_38 = arith.sitofp %convert_element_type3A_37 : vector<2048x8xi32> to vector<2048x8xf32>
    %reduce_sum3A_39 = arith.constant dense<0.000000e+00> : vector<8xf32>
    %reduce_sum3A_40 = vector.multi_reduction <add>, %convert_element_type3A_36, %reduce_sum3A_39 [0] : vector<2048x8xf32> to vector<8xf32>
    %broadcast_in_dim3A_41 = vector.shape_cast %reduce_sum3A_40 : vector<8xf32> to vector<1x8xf32>
    %reduce_sum3A_42 = arith.constant dense<0.000000e+00> : vector<8xf32>
    %reduce_sum3A_43 = vector.multi_reduction <add>, %convert_element_type3A_38, %reduce_sum3A_42 [0] : vector<2048x8xf32> to vector<8xf32>
    %broadcast_in_dim3A_44 = vector.shape_cast %reduce_sum3A_43 : vector<8xf32> to vector<1x8xf32>
    %add3A = arith.addf %broadcast_in_dim3A_41, %broadcast_in_dim3A_44 : vector<1x8xf32>
    %mul3A = arith.constant 0.001953125 : f32
    %mul3A_45 = vector.broadcast %mul3A : f32 to vector<1x8xf32>
    %mul3A_46 = arith.mulf %add3A, %mul3A_45 : vector<1x8xf32>
    %swap3A = arith.constant 0 : index
    %swap3A_47 = arith.constant 0 : index
    %swap3A_48 = vector.load %arg10[%swap3A, %swap3A_47] : memref<1x8xf32, #tpu.memory_space<vmem>>, vector<1x8xf32>
    tpu.vector_store %arg10[%swap3A, %swap3A_47], %mul3A_46 {strides = array<i32>} : memref<1x8xf32, #tpu.memory_space<vmem>>, vector<1x8xf32>,
    %reduce_sum3A_49 = arith.constant dense<0.000000e+00> : vector<8xf32>
    %reduce_sum3A_50 = vector.multi_reduction <add>, %div3A_10, %reduce_sum3A_49 [0] : vector<2048x8xf32> to vector<8xf32>
    %broadcast_in_dim3A_51 = vector.shape_cast %reduce_sum3A_50 : vector<8xf32> to vector<1x8xf32>
    %div3A_52 = arith.constant 2.048000e+03 : f32
    %div3A_53 = vector.broadcast %div3A_52 : f32 to vector<1x8xf32>
    %div3A_54 = arith.divf %broadcast_in_dim3A_51, %div3A_53 : vector<1x8xf32>
    %swap3A_55 = arith.constant 0 : index
    %swap3A_56 = arith.constant 0 : index
    %swap3A_57 = vector.load %arg11[%swap3A_55, %swap3A_56] : memref<1x8xf32, #tpu.memory_space<vmem>>, vector<1x8xf32>
    tpu.vector_store %arg11[%swap3A_55, %swap3A_56], %div3A_54 {strides = array<i32>} : memref<1x8xf32, #tpu.memory_space<vmem>>, vector<1x8xf32>,
    %concatenate3A = tpu.concatenate %broadcast_in_dim3A_13, %broadcast_in_dim3A_25 in 1 : vector<2048x1xf32>, vector<2048x1xf32> -> vector<2048x2xf32>
    %swap3A_58 = arith.constant 0 : index
    %swap3A_59 = arith.constant 0 : index
    %swap3A_60 = vector.load %arg2[%swap3A_58, %swap3A_59] : memref<2048x2xf32, #tpu.memory_space<vmem>>, vector<2048x2xf32>
    tpu.vector_store %arg2[%swap3A_58, %swap3A_59], %concatenate3A {strides = array<i32>} : memref<2048x2xf32, #tpu.memory_space<vmem>>, vector<2048x2xf32>,
    %add3A_61 = arith.constant 2.550000e+02 : f32
    %add3A_62 = vector.broadcast %add3A_61 : f32 to vector<1x8xf32>
    %add3A_63 = arith.addf %add3A, %add3A_62 : vector<1x8xf32>
    %mul3A_64 = arith.constant 3.906250e-03 : f32
    %mul3A_65 = vector.broadcast %mul3A_64 : f32 to vector<1x8xf32>
    %mul3A_66 = arith.mulf %add3A_63, %mul3A_65 : vector<1x8xf32>
    %floor3A = math.floor %mul3A_66 : vector<1x8xf32>
    %iota3A_67 = tpu.iota {dimensions = array<i32: 0>} : vector<8x8xi32>
    %iota3A_68 = tpu.iota {dimensions = array<i32: 1>} : vector<8x8xi32>
    %lt3A = arith.cmpi slt, %iota3A_67, %iota3A_68 : vector<8x8xi32>
    %convert_element_type3A_69 = arith.extui %lt3A : vector<8x8xi1> to vector<8x8xi32>
    %convert_element_type3A_70 = arith.sitofp %convert_element_type3A_69 : vector<8x8xi32> to vector<8x8xf32>
    %dot_general3A_71 = arith.constant dense<0.000000e+00> : vector<1x8xf32>
    %dot_general3A_72 = tpu.matmul %floor3A, %convert_element_type3A_70, %dot_general3A_71 {dimension_numbers = #tpu.dot_dimension_numbers<[1], [0], [0], [1], [0, 0, 1, 1], [], []>, transpose_lhs_hint = false} : vector<1x8xf32>, vector<8x8xf32>, vector<1x8xf32> -> vector<1x8xf32>
    %mul3A_73 = arith.constant 2.560000e+02 : f32
    %mul3A_74 = vector.broadcast %mul3A_73 : f32 to vector<1x8xf32>
    %mul3A_75 = arith.mulf %dot_general3A_72, %mul3A_74 : vector<1x8xf32>
    %reduce_sum3A_76 = arith.constant dense<0.000000e+00> : vector<1xf32>
    %reduce_sum3A_77 = vector.multi_reduction <add>, %floor3A, %reduce_sum3A_76 [1] : vector<1x8xf32> to vector<1xf32>
    %broadcast_in_dim3A_78 = vector.shape_cast %reduce_sum3A_77 : vector<1xf32> to vector<1x1xf32>
    %iota3A_79 = tpu.iota {dimensions = array<i32: 0>} : vector<256x256xi32>
    %iota3A_80 = tpu.iota {dimensions = array<i32: 1>} : vector<256x256xi32>
    %lt3A_81 = arith.cmpi slt, %iota3A_80, %iota3A_79 : vector<256x256xi32>
    %convert_element_type3A_82 = arith.extui %lt3A_81 : vector<256x256xi1> to vector<256x256xi32>
    %convert_element_type3A_83 = arith.sitofp %convert_element_type3A_82 : vector<256x256xi32> to vector<256x256xf32>
    %broadcast_in_dim3A_84 = arith.constant 0.000000e+00 : f32
    %broadcast_in_dim3A_85 = vector.broadcast %broadcast_in_dim3A_84 : f32 to vector<1x8xf32>
    %slice3A = vector.extract_strided_slice %convert_element_type3A_36 {offsets = [0, 0], sizes = [256, 8], strides = [1, 1]} : vector<2048x8xf32> to vector<256x8xf32>
    %dot_general3A_86 = arith.constant dense<0.000000e+00> : vector<256x8xf32>
    %dot_general3A_87 = tpu.matmul %convert_element_type3A_83, %slice3A, %dot_general3A_86 {dimension_numbers = #tpu.dot_dimension_numbers<[1], [0], [0], [1], [0, 0, 1, 1], [], []>, transpose_lhs_hint = false} : vector<256x256xf32>, vector<256x8xf32>, vector<256x8xf32> -> vector<256x8xf32>
    %add3A_88 = vector.broadcast %broadcast_in_dim3A_85 : vector<1x8xf32> to vector<256x8xf32>
    %add3A_89 = arith.addf %dot_general3A_87, %add3A_88 : vector<256x8xf32>
    %reduce_sum3A_90 = arith.constant dense<0.000000e+00> : vector<8xf32>
    %reduce_sum3A_91 = vector.multi_reduction <add>, %slice3A, %reduce_sum3A_90 [0] : vector<256x8xf32> to vector<8xf32>
    %broadcast_in_dim3A_92 = vector.shape_cast %reduce_sum3A_91 : vector<8xf32> to vector<1x8xf32>
    %add3A_93 = arith.addf %broadcast_in_dim3A_85, %broadcast_in_dim3A_92 : vector<1x8xf32>
    %slice3A_94 = vector.extract_strided_slice %convert_element_type3A_36 {offsets = [256, 0], sizes = [256, 8], strides = [1, 1]} : vector<2048x8xf32> to vector<256x8xf32>
    %dot_general3A_95 = arith.constant dense<0.000000e+00> : vector<256x8xf32>
    %dot_general3A_96 = tpu.matmul %convert_element_type3A_83, %slice3A_94, %dot_general3A_95 {dimension_numbers = #tpu.dot_dimension_numbers<[1], [0], [0], [1], [0, 0, 1, 1], [], []>, transpose_lhs_hint = false} : vector<256x256xf32>, vector<256x8xf32>, vector<256x8xf32> -> vector<256x8xf32>
    %add3A_97 = vector.broadcast %add3A_93 : vector<1x8xf32> to vector<256x8xf32>
    %add3A_98 = arith.addf %dot_general3A_96, %add3A_97 : vector<256x8xf32>
    %reduce_sum3A_99 = arith.constant dense<0.000000e+00> : vector<8xf32>
    %reduce_sum3A_100 = vector.multi_reduction <add>, %slice3A_94, %reduce_sum3A_99 [0] : vector<256x8xf32> to vector<8xf32>
    %broadcast_in_dim3A_101 = vector.shape_cast %reduce_sum3A_100 : vector<8xf32> to vector<1x8xf32>
    %add3A_102 = arith.addf %add3A_93, %broadcast_in_dim3A_101 : vector<1x8xf32>
    %slice3A_103 = vector.extract_strided_slice %convert_element_type3A_36 {offsets = [512, 0], sizes = [256, 8], strides = [1, 1]} : vector<2048x8xf32> to vector<256x8xf32>
    %dot_general3A_104 = arith.constant dense<0.000000e+00> : vector<256x8xf32>
    %dot_general3A_105 = tpu.matmul %convert_element_type3A_83, %slice3A_103, %dot_general3A_104 {dimension_numbers = #tpu.dot_dimension_numbers<[1], [0], [0], [1], [0, 0, 1, 1], [], []>, transpose_lhs_hint = false} : vector<256x256xf32>, vector<256x8xf32>, vector<256x8xf32> -> vector<256x8xf32>
    %add3A_106 = vector.broadcast %add3A_102 : vector<1x8xf32> to vector<256x8xf32>
    %add3A_107 = arith.addf %dot_general3A_105, %add3A_106 : vector<256x8xf32>
    %reduce_sum3A_108 = arith.constant dense<0.000000e+00> : vector<8xf32>
    %reduce_sum3A_109 = vector.multi_reduction <add>, %slice3A_103, %reduce_sum3A_108 [0] : vector<256x8xf32> to vector<8xf32>
    %broadcast_in_dim3A_110 = vector.shape_cast %reduce_sum3A_109 : vector<8xf32> to vector<1x8xf32>
    %add3A_111 = arith.addf %add3A_102, %broadcast_in_dim3A_110 : vector<1x8xf32>
    %slice3A_112 = vector.extract_strided_slice %convert_element_type3A_36 {offsets = [768, 0], sizes = [256, 8], strides = [1, 1]} : vector<2048x8xf32> to vector<256x8xf32>
    %dot_general3A_113 = arith.constant dense<0.000000e+00> : vector<256x8xf32>
    %dot_general3A_114 = tpu.matmul %convert_element_type3A_83, %slice3A_112, %dot_general3A_113 {dimension_numbers = #tpu.dot_dimension_numbers<[1], [0], [0], [1], [0, 0, 1, 1], [], []>, transpose_lhs_hint = false} : vector<256x256xf32>, vector<256x8xf32>, vector<256x8xf32> -> vector<256x8xf32>
    %add3A_115 = vector.broadcast %add3A_111 : vector<1x8xf32> to vector<256x8xf32>
    %add3A_116 = arith.addf %dot_general3A_114, %add3A_115 : vector<256x8xf32>
    %reduce_sum3A_117 = arith.constant dense<0.000000e+00> : vector<8xf32>
    %reduce_sum3A_118 = vector.multi_reduction <add>, %slice3A_112, %reduce_sum3A_117 [0] : vector<256x8xf32> to vector<8xf32>
    %broadcast_in_dim3A_119 = vector.shape_cast %reduce_sum3A_118 : vector<8xf32> to vector<1x8xf32>
    %add3A_120 = arith.addf %add3A_111, %broadcast_in_dim3A_119 : vector<1x8xf32>
    %slice3A_121 = vector.extract_strided_slice %convert_element_type3A_36 {offsets = [1024, 0], sizes = [256, 8], strides = [1, 1]} : vector<2048x8xf32> to vector<256x8xf32>
    %dot_general3A_122 = arith.constant dense<0.000000e+00> : vector<256x8xf32>
    %dot_general3A_123 = tpu.matmul %convert_element_type3A_83, %slice3A_121, %dot_general3A_122 {dimension_numbers = #tpu.dot_dimension_numbers<[1], [0], [0], [1], [0, 0, 1, 1], [], []>, transpose_lhs_hint = false} : vector<256x256xf32>, vector<256x8xf32>, vector<256x8xf32> -> vector<256x8xf32>
    %add3A_124 = vector.broadcast %add3A_120 : vector<1x8xf32> to vector<256x8xf32>
    %add3A_125 = arith.addf %dot_general3A_123, %add3A_124 : vector<256x8xf32>
    %reduce_sum3A_126 = arith.constant dense<0.000000e+00> : vector<8xf32>
    %reduce_sum3A_127 = vector.multi_reduction <add>, %slice3A_121, %reduce_sum3A_126 [0] : vector<256x8xf32> to vector<8xf32>
    %broadcast_in_dim3A_128 = vector.shape_cast %reduce_sum3A_127 : vector<8xf32> to vector<1x8xf32>
    %add3A_129 = arith.addf %add3A_120, %broadcast_in_dim3A_128 : vector<1x8xf32>
    %slice3A_130 = vector.extract_strided_slice %convert_element_type3A_36 {offsets = [1280, 0], sizes = [256, 8], strides = [1, 1]} : vector<2048x8xf32> to vector<256x8xf32>
    %dot_general3A_131 = arith.constant dense<0.000000e+00> : vector<256x8xf32>
    %dot_general3A_132 = tpu.matmul %convert_element_type3A_83, %slice3A_130, %dot_general3A_131 {dimension_numbers = #tpu.dot_dimension_numbers<[1], [0], [0], [1], [0, 0, 1, 1], [], []>, transpose_lhs_hint = false} : vector<256x256xf32>, vector<256x8xf32>, vector<256x8xf32> -> vector<256x8xf32>
    %add3A_133 = vector.broadcast %add3A_129 : vector<1x8xf32> to vector<256x8xf32>
    %add3A_134 = arith.addf %dot_general3A_132, %add3A_133 : vector<256x8xf32>
    %reduce_sum3A_135 = arith.constant dense<0.000000e+00> : vector<8xf32>
    %reduce_sum3A_136 = vector.multi_reduction <add>, %slice3A_130, %reduce_sum3A_135 [0] : vector<256x8xf32> to vector<8xf32>
    %broadcast_in_dim3A_137 = vector.shape_cast %reduce_sum3A_136 : vector<8xf32> to vector<1x8xf32>
    %add3A_138 = arith.addf %add3A_129, %broadcast_in_dim3A_137 : vector<1x8xf32>
    %slice3A_139 = vector.extract_strided_slice %convert_element_type3A_36 {offsets = [1536, 0], sizes = [256, 8], strides = [1, 1]} : vector<2048x8xf32> to vector<256x8xf32>
    %dot_general3A_140 = arith.constant dense<0.000000e+00> : vector<256x8xf32>
    %dot_general3A_141 = tpu.matmul %convert_element_type3A_83, %slice3A_139, %dot_general3A_140 {dimension_numbers = #tpu.dot_dimension_numbers<[1], [0], [0], [1], [0, 0, 1, 1], [], []>, transpose_lhs_hint = false} : vector<256x256xf32>, vector<256x8xf32>, vector<256x8xf32> -> vector<256x8xf32>
    %add3A_142 = vector.broadcast %add3A_138 : vector<1x8xf32> to vector<256x8xf32>
    %add3A_143 = arith.addf %dot_general3A_141, %add3A_142 : vector<256x8xf32>
    %reduce_sum3A_144 = arith.constant dense<0.000000e+00> : vector<8xf32>
    %reduce_sum3A_145 = vector.multi_reduction <add>, %slice3A_139, %reduce_sum3A_144 [0] : vector<256x8xf32> to vector<8xf32>
    %broadcast_in_dim3A_146 = vector.shape_cast %reduce_sum3A_145 : vector<8xf32> to vector<1x8xf32>
    %add3A_147 = arith.addf %add3A_138, %broadcast_in_dim3A_146 : vector<1x8xf32>
    %slice3A_148 = vector.extract_strided_slice %convert_element_type3A_36 {offsets = [1792, 0], sizes = [256, 8], strides = [1, 1]} : vector<2048x8xf32> to vector<256x8xf32>
    %dot_general3A_149 = arith.constant dense<0.000000e+00> : vector<256x8xf32>
    %dot_general3A_150 = tpu.matmul %convert_element_type3A_83, %slice3A_148, %dot_general3A_149 {dimension_numbers = #tpu.dot_dimension_numbers<[1], [0], [0], [1], [0, 0, 1, 1], [], []>, transpose_lhs_hint = false} : vector<256x256xf32>, vector<256x8xf32>, vector<256x8xf32> -> vector<256x8xf32>
    %add3A_151 = vector.broadcast %add3A_147 : vector<1x8xf32> to vector<256x8xf32>
    %add3A_152 = arith.addf %dot_general3A_150, %add3A_151 : vector<256x8xf32>
    %concatenate3A_153 = tpu.concatenate %add3A_89, %add3A_98, %add3A_107, %add3A_116, %add3A_125, %add3A_134, %add3A_143, %add3A_152 in 0 : vector<256x8xf32>, vector<256x8xf32>, vector<256x8xf32>, vector<256x8xf32>, vector<256x8xf32>, vector<256x8xf32>, vector<256x8xf32>, vector<256x8xf32> -> vector<2048x8xf32>
    %iota3A_154 = tpu.iota {dimensions = array<i32: 0>} : vector<256x256xi32>
    %iota3A_155 = tpu.iota {dimensions = array<i32: 1>} : vector<256x256xi32>
    %lt3A_156 = arith.cmpi slt, %iota3A_155, %iota3A_154 : vector<256x256xi32>
    %convert_element_type3A_157 = arith.extui %lt3A_156 : vector<256x256xi1> to vector<256x256xi32>
    %convert_element_type3A_158 = arith.sitofp %convert_element_type3A_157 : vector<256x256xi32> to vector<256x256xf32>
    %broadcast_in_dim3A_159 = arith.constant 0.000000e+00 : f32
    %broadcast_in_dim3A_160 = vector.broadcast %broadcast_in_dim3A_159 : f32 to vector<1x8xf32>
    %slice3A_161 = vector.extract_strided_slice %convert_element_type3A_38 {offsets = [0, 0], sizes = [256, 8], strides = [1, 1]} : vector<2048x8xf32> to vector<256x8xf32>
    %dot_general3A_162 = arith.constant dense<0.000000e+00> : vector<256x8xf32>
    %dot_general3A_163 = tpu.matmul %convert_element_type3A_158, %slice3A_161, %dot_general3A_162 {dimension_numbers = #tpu.dot_dimension_numbers<[1], [0], [0], [1], [0, 0, 1, 1], [], []>, transpose_lhs_hint = false} : vector<256x256xf32>, vector<256x8xf32>, vector<256x8xf32> -> vector<256x8xf32>
    %add3A_164 = vector.broadcast %broadcast_in_dim3A_160 : vector<1x8xf32> to vector<256x8xf32>
    %add3A_165 = arith.addf %dot_general3A_163, %add3A_164 : vector<256x8xf32>
    %reduce_sum3A_166 = arith.constant dense<0.000000e+00> : vector<8xf32>
    %reduce_sum3A_167 = vector.multi_reduction <add>, %slice3A_161, %reduce_sum3A_166 [0] : vector<256x8xf32> to vector<8xf32>
    %broadcast_in_dim3A_168 = vector.shape_cast %reduce_sum3A_167 : vector<8xf32> to vector<1x8xf32>
    %add3A_169 = arith.addf %broadcast_in_dim3A_160, %broadcast_in_dim3A_168 : vector<1x8xf32>
    %slice3A_170 = vector.extract_strided_slice %convert_element_type3A_38 {offsets = [256, 0], sizes = [256, 8], strides = [1, 1]} : vector<2048x8xf32> to vector<256x8xf32>
    %dot_general3A_171 = arith.constant dense<0.000000e+00> : vector<256x8xf32>
    %dot_general3A_172 = tpu.matmul %convert_element_type3A_158, %slice3A_170, %dot_general3A_171 {dimension_numbers = #tpu.dot_dimension_numbers<[1], [0], [0], [1], [0, 0, 1, 1], [], []>, transpose_lhs_hint = false} : vector<256x256xf32>, vector<256x8xf32>, vector<256x8xf32> -> vector<256x8xf32>
    %add3A_173 = vector.broadcast %add3A_169 : vector<1x8xf32> to vector<256x8xf32>
    %add3A_174 = arith.addf %dot_general3A_172, %add3A_173 : vector<256x8xf32>
    %reduce_sum3A_175 = arith.constant dense<0.000000e+00> : vector<8xf32>
    %reduce_sum3A_176 = vector.multi_reduction <add>, %slice3A_170, %reduce_sum3A_175 [0] : vector<256x8xf32> to vector<8xf32>
    %broadcast_in_dim3A_177 = vector.shape_cast %reduce_sum3A_176 : vector<8xf32> to vector<1x8xf32>
    %add3A_178 = arith.addf %add3A_169, %broadcast_in_dim3A_177 : vector<1x8xf32>
    %slice3A_179 = vector.extract_strided_slice %convert_element_type3A_38 {offsets = [512, 0], sizes = [256, 8], strides = [1, 1]} : vector<2048x8xf32> to vector<256x8xf32>
    %dot_general3A_180 = arith.constant dense<0.000000e+00> : vector<256x8xf32>
    %dot_general3A_181 = tpu.matmul %convert_element_type3A_158, %slice3A_179, %dot_general3A_180 {dimension_numbers = #tpu.dot_dimension_numbers<[1], [0], [0], [1], [0, 0, 1, 1], [], []>, transpose_lhs_hint = false} : vector<256x256xf32>, vector<256x8xf32>, vector<256x8xf32> -> vector<256x8xf32>
    %add3A_182 = vector.broadcast %add3A_178 : vector<1x8xf32> to vector<256x8xf32>
    %add3A_183 = arith.addf %dot_general3A_181, %add3A_182 : vector<256x8xf32>
    %reduce_sum3A_184 = arith.constant dense<0.000000e+00> : vector<8xf32>
    %reduce_sum3A_185 = vector.multi_reduction <add>, %slice3A_179, %reduce_sum3A_184 [0] : vector<256x8xf32> to vector<8xf32>
    %broadcast_in_dim3A_186 = vector.shape_cast %reduce_sum3A_185 : vector<8xf32> to vector<1x8xf32>
    %add3A_187 = arith.addf %add3A_178, %broadcast_in_dim3A_186 : vector<1x8xf32>
    %slice3A_188 = vector.extract_strided_slice %convert_element_type3A_38 {offsets = [768, 0], sizes = [256, 8], strides = [1, 1]} : vector<2048x8xf32> to vector<256x8xf32>
    %dot_general3A_189 = arith.constant dense<0.000000e+00> : vector<256x8xf32>
    %dot_general3A_190 = tpu.matmul %convert_element_type3A_158, %slice3A_188, %dot_general3A_189 {dimension_numbers = #tpu.dot_dimension_numbers<[1], [0], [0], [1], [0, 0, 1, 1], [], []>, transpose_lhs_hint = false} : vector<256x256xf32>, vector<256x8xf32>, vector<256x8xf32> -> vector<256x8xf32>
    %add3A_191 = vector.broadcast %add3A_187 : vector<1x8xf32> to vector<256x8xf32>
    %add3A_192 = arith.addf %dot_general3A_190, %add3A_191 : vector<256x8xf32>
    %reduce_sum3A_193 = arith.constant dense<0.000000e+00> : vector<8xf32>
    %reduce_sum3A_194 = vector.multi_reduction <add>, %slice3A_188, %reduce_sum3A_193 [0] : vector<256x8xf32> to vector<8xf32>
    %broadcast_in_dim3A_195 = vector.shape_cast %reduce_sum3A_194 : vector<8xf32> to vector<1x8xf32>
    %add3A_196 = arith.addf %add3A_187, %broadcast_in_dim3A_195 : vector<1x8xf32>
    %slice3A_197 = vector.extract_strided_slice %convert_element_type3A_38 {offsets = [1024, 0], sizes = [256, 8], strides = [1, 1]} : vector<2048x8xf32> to vector<256x8xf32>
    %dot_general3A_198 = arith.constant dense<0.000000e+00> : vector<256x8xf32>
    %dot_general3A_199 = tpu.matmul %convert_element_type3A_158, %slice3A_197, %dot_general3A_198 {dimension_numbers = #tpu.dot_dimension_numbers<[1], [0], [0], [1], [0, 0, 1, 1], [], []>, transpose_lhs_hint = false} : vector<256x256xf32>, vector<256x8xf32>, vector<256x8xf32> -> vector<256x8xf32>
    %add3A_200 = vector.broadcast %add3A_196 : vector<1x8xf32> to vector<256x8xf32>
    %add3A_201 = arith.addf %dot_general3A_199, %add3A_200 : vector<256x8xf32>
    %reduce_sum3A_202 = arith.constant dense<0.000000e+00> : vector<8xf32>
    %reduce_sum3A_203 = vector.multi_reduction <add>, %slice3A_197, %reduce_sum3A_202 [0] : vector<256x8xf32> to vector<8xf32>
    %broadcast_in_dim3A_204 = vector.shape_cast %reduce_sum3A_203 : vector<8xf32> to vector<1x8xf32>
    %add3A_205 = arith.addf %add3A_196, %broadcast_in_dim3A_204 : vector<1x8xf32>
    %slice3A_206 = vector.extract_strided_slice %convert_element_type3A_38 {offsets = [1280, 0], sizes = [256, 8], strides = [1, 1]} : vector<2048x8xf32> to vector<256x8xf32>
    %dot_general3A_207 = arith.constant dense<0.000000e+00> : vector<256x8xf32>
    %dot_general3A_208 = tpu.matmul %convert_element_type3A_158, %slice3A_206, %dot_general3A_207 {dimension_numbers = #tpu.dot_dimension_numbers<[1], [0], [0], [1], [0, 0, 1, 1], [], []>, transpose_lhs_hint = false} : vector<256x256xf32>, vector<256x8xf32>, vector<256x8xf32> -> vector<256x8xf32>
    %add3A_209 = vector.broadcast %add3A_205 : vector<1x8xf32> to vector<256x8xf32>
    %add3A_210 = arith.addf %dot_general3A_208, %add3A_209 : vector<256x8xf32>
    %reduce_sum3A_211 = arith.constant dense<0.000000e+00> : vector<8xf32>
    %reduce_sum3A_212 = vector.multi_reduction <add>, %slice3A_206, %reduce_sum3A_211 [0] : vector<256x8xf32> to vector<8xf32>
    %broadcast_in_dim3A_213 = vector.shape_cast %reduce_sum3A_212 : vector<8xf32> to vector<1x8xf32>
    %add3A_214 = arith.addf %add3A_205, %broadcast_in_dim3A_213 : vector<1x8xf32>
    %slice3A_215 = vector.extract_strided_slice %convert_element_type3A_38 {offsets = [1536, 0], sizes = [256, 8], strides = [1, 1]} : vector<2048x8xf32> to vector<256x8xf32>
    %dot_general3A_216 = arith.constant dense<0.000000e+00> : vector<256x8xf32>
    %dot_general3A_217 = tpu.matmul %convert_element_type3A_158, %slice3A_215, %dot_general3A_216 {dimension_numbers = #tpu.dot_dimension_numbers<[1], [0], [0], [1], [0, 0, 1, 1], [], []>, transpose_lhs_hint = false} : vector<256x256xf32>, vector<256x8xf32>, vector<256x8xf32> -> vector<256x8xf32>
    %add3A_218 = vector.broadcast %add3A_214 : vector<1x8xf32> to vector<256x8xf32>
    %add3A_219 = arith.addf %dot_general3A_217, %add3A_218 : vector<256x8xf32>
    %reduce_sum3A_220 = arith.constant dense<0.000000e+00> : vector<8xf32>
    %reduce_sum3A_221 = vector.multi_reduction <add>, %slice3A_215, %reduce_sum3A_220 [0] : vector<256x8xf32> to vector<8xf32>
    %broadcast_in_dim3A_222 = vector.shape_cast %reduce_sum3A_221 : vector<8xf32> to vector<1x8xf32>
    %add3A_223 = arith.addf %add3A_214, %broadcast_in_dim3A_222 : vector<1x8xf32>
    %slice3A_224 = vector.extract_strided_slice %convert_element_type3A_38 {offsets = [1792, 0], sizes = [256, 8], strides = [1, 1]} : vector<2048x8xf32> to vector<256x8xf32>
    %dot_general3A_225 = arith.constant dense<0.000000e+00> : vector<256x8xf32>
    %dot_general3A_226 = tpu.matmul %convert_element_type3A_158, %slice3A_224, %dot_general3A_225 {dimension_numbers = #tpu.dot_dimension_numbers<[1], [0], [0], [1], [0, 0, 1, 1], [], []>, transpose_lhs_hint = false} : vector<256x256xf32>, vector<256x8xf32>, vector<256x8xf32> -> vector<256x8xf32>
    %add3A_227 = vector.broadcast %add3A_223 : vector<1x8xf32> to vector<256x8xf32>
    %add3A_228 = arith.addf %dot_general3A_226, %add3A_227 : vector<256x8xf32>
    %concatenate3A_229 = tpu.concatenate %add3A_165, %add3A_174, %add3A_183, %add3A_192, %add3A_201, %add3A_210, %add3A_219, %add3A_228 in 0 : vector<256x8xf32>, vector<256x8xf32>, vector<256x8xf32>, vector<256x8xf32>, vector<256x8xf32>, vector<256x8xf32>, vector<256x8xf32>, vector<256x8xf32> -> vector<2048x8xf32>
    %add3A_230 = vector.broadcast %broadcast_in_dim3A_41 : vector<1x8xf32> to vector<2048x8xf32>
    %add3A_231 = arith.addf %concatenate3A_229, %add3A_230 : vector<2048x8xf32>
    %add3A_232 = vector.broadcast %mul3A_75 : vector<1x8xf32> to vector<2048x8xf32>
    %add3A_233 = arith.addf %add3A_232, %concatenate3A_153 : vector<2048x8xf32>
    %mul3A_234 = arith.mulf %convert_element_type3A_36, %add3A_233 : vector<2048x8xf32>
    %reduce_sum3A_235 = arith.constant dense<0.000000e+00> : vector<2048xf32>
    %reduce_sum3A_236 = vector.multi_reduction <add>, %mul3A_234, %reduce_sum3A_235 [1] : vector<2048x8xf32> to vector<2048xf32>
    %broadcast_in_dim3A_237 = vector.shape_cast %reduce_sum3A_236 : vector<2048xf32> to vector<2048x1xf32>
    %add3A_238 = vector.broadcast %mul3A_75 : vector<1x8xf32> to vector<2048x8xf32>
    %add3A_239 = arith.addf %add3A_238, %add3A_231 : vector<2048x8xf32>
    %mul3A_240 = arith.mulf %convert_element_type3A_38, %add3A_239 : vector<2048x8xf32>
    %reduce_sum3A_241 = arith.constant dense<0.000000e+00> : vector<2048xf32>
    %reduce_sum3A_242 = vector.multi_reduction <add>, %mul3A_240, %reduce_sum3A_241 [1] : vector<2048x8xf32> to vector<2048xf32>
    %broadcast_in_dim3A_243 = vector.shape_cast %reduce_sum3A_242 : vector<2048xf32> to vector<2048x1xf32>
    %concatenate3A_244 = tpu.concatenate %broadcast_in_dim3A_237, %broadcast_in_dim3A_243 in 1 : vector<2048x1xf32>, vector<2048x1xf32> -> vector<2048x2xf32>
    %convert_element_type3A_245 = arith.fptosi %concatenate3A_244 : vector<2048x2xf32> to vector<2048x2xi32>
    %swap3A_246 = arith.constant 0 : index
    %swap3A_247 = arith.constant 0 : index
    %swap3A_248 = vector.load %arg3[%swap3A_246, %swap3A_247] : memref<2048x2xi32, #tpu.memory_space<vmem>>, vector<2048x2xi32>
    tpu.vector_store %arg3[%swap3A_246, %swap3A_247], %convert_element_type3A_245 {strides = array<i32>} : memref<2048x2xi32, #tpu.memory_space<vmem>>, vector<2048x2xi32>,
    %iota3A_249 = tpu.iota {dimensions = array<i32: 0>} : vector<24x8xi32>
    %convert_element_type3A_250 = arith.sitofp %iota3A_249 : vector<24x8xi32> to vector<24x8xf32>
    %broadcast_in_dim3A_251 = vector.shape_cast %dot_general3A_72 : vector<1x8xf32> to vector<1x8xf32>
    %broadcast_in_dim3A_252 = vector.broadcast %broadcast_in_dim3A_251 : vector<1x8xf32> to vector<24x8xf32>
    %ge3A = arith.cmpf oge, %convert_element_type3A_250, %broadcast_in_dim3A_252 : vector<24x8xf32>
    %convert_element_type3A_253 = arith.extui %ge3A : vector<24x8xi1> to vector<24x8xi32>
    %convert_element_type3A_254 = arith.sitofp %convert_element_type3A_253 : vector<24x8xi32> to vector<24x8xf32>
    %reduce_sum3A_255 = arith.constant dense<0.000000e+00> : vector<24xf32>
    %reduce_sum3A_256 = vector.multi_reduction <add>, %convert_element_type3A_254, %reduce_sum3A_255 [1] : vector<24x8xf32> to vector<24xf32>
    %broadcast_in_dim3A_257 = vector.shape_cast %reduce_sum3A_256 : vector<24xf32> to vector<24x1xf32>
    %sub3A_258 = arith.constant 1.000000e+00 : f32
    %sub3A_259 = vector.broadcast %sub3A_258 : f32 to vector<24x1xf32>
    %sub3A_260 = arith.subf %broadcast_in_dim3A_257, %sub3A_259 : vector<24x1xf32>
    %jit3A_261 = arith.constant 0.000000e+00 : f32
    %jit3A_262 = arith.constant 7.000000e+00 : f32
    %max3A = vector.broadcast %jit3A_261 : f32 to vector<24x1xf32>
    %max3A_263 = arith.maximumf %max3A, %sub3A_260 : vector<24x1xf32>
    %min3A = vector.broadcast %jit3A_262 : f32 to vector<24x1xf32>
    %min3A_264 = arith.minimumf %min3A, %max3A_263 : vector<24x1xf32>
    %convert_element_type3A_265 = arith.fptosi %min3A_264 : vector<24x1xf32> to vector<24x1xi32>
    %swap3A_266 = arith.constant 0 : index
    %swap3A_267 = arith.constant 0 : index
    %swap3A_268 = vector.load %arg4[%swap3A_266, %swap3A_267] : memref<24x1xi32, #tpu.memory_space<vmem>>, vector<24x1xi32>
    tpu.vector_store %arg4[%swap3A_266, %swap3A_267], %convert_element_type3A_265 {strides = array<i32>} : memref<24x1xi32, #tpu.memory_space<vmem>>, vector<24x1xi32>,
    %iota3A_269 = tpu.iota {dimensions = array<i32: 0>} : vector<24x1xi32>
    %convert_element_type3A_270 = arith.sitofp %iota3A_269 : vector<24x1xi32> to vector<24x1xf32>
    %lt3A_271 = vector.broadcast %broadcast_in_dim3A_78 : vector<1x1xf32> to vector<24x1xf32>
    %lt3A_272 = arith.cmpf olt, %convert_element_type3A_270, %lt3A_271 : vector<24x1xf32>
    %convert_element_type3A_273 = arith.extui %lt3A_272 : vector<24x1xi1> to vector<24x1xi32>
    %convert_element_type3A_274 = arith.sitofp %convert_element_type3A_273 : vector<24x1xi32> to vector<24x1xf32>
    %convert_element_type3A_275 = arith.fptosi %convert_element_type3A_274 : vector<24x1xf32> to vector<24x1xi32>
    %swap3A_276 = arith.constant 0 : index
    %swap3A_277 = arith.constant 0 : index
    %swap3A_278 = vector.load %arg5[%swap3A_276, %swap3A_277] : memref<24x1xi32, #tpu.memory_space<vmem>>, vector<24x1xi32>
    tpu.vector_store %arg5[%swap3A_276, %swap3A_277], %convert_element_type3A_275 {strides = array<i32>} : memref<24x1xi32, #tpu.memory_space<vmem>>, vector<24x1xi32>,
    %broadcast_in_dim3A_279 = arith.constant 1.000000e+00 : f32
    %broadcast_in_dim3A_280 = vector.broadcast %broadcast_in_dim3A_279 : f32 to vector<1x1xf32>
    %neg3A = arith.constant 0.000000e+00 : f32
    %neg3A_281 = vector.broadcast %neg3A : f32 to vector<1x1xf32>
    %neg3A_282 = arith.subf %neg3A_281, %broadcast_in_dim3A_280 : vector<1x1xf32>
    %slice3A_283 = vector.extract_strided_slice %min3A_264 {offsets = [0, 0], sizes = [23, 1], strides = [1, 1]} : vector<24x1xf32> to vector<23x1xf32>
    %concatenate3A_284 = tpu.concatenate %neg3A_282, %slice3A_283 in 0 : vector<1x1xf32>, vector<23x1xf32> -> vector<24x1xf32>
    %ne3A = arith.cmpf one, %min3A_264, %concatenate3A_284 : vector<24x1xf32>
    %convert_element_type3A_285 = arith.extui %ne3A : vector<24x1xi1> to vector<24x1xi32>
    %convert_element_type3A_286 = arith.sitofp %convert_element_type3A_285 : vector<24x1xi32> to vector<24x1xf32>
    %mul3A_287 = arith.mulf %convert_element_type3A_286, %convert_element_type3A_274 : vector<24x1xf32>
    %iota3A_288 = tpu.iota {dimensions = array<i32: 0>} : vector<24x24xi32>
    %iota3A_289 = tpu.iota {dimensions = array<i32: 1>} : vector<24x24xi32>
    %le3A = arith.cmpi sle, %iota3A_289, %iota3A_288 : vector<24x24xi32>
    %convert_element_type3A_290 = arith.extui %le3A : vector<24x24xi1> to vector<24x24xi32>
    %convert_element_type3A_291 = arith.sitofp %convert_element_type3A_290 : vector<24x24xi32> to vector<24x24xf32>
    %dot_general3A_292 = arith.constant dense<0.000000e+00> : vector<24x1xf32>
    %dot_general3A_293 = tpu.matmul %convert_element_type3A_291, %mul3A_287, %dot_general3A_292 {dimension_numbers = #tpu.dot_dimension_numbers<[1], [0], [0], [1], [0, 0, 1, 1], [], []>, transpose_lhs_hint = false} : vector<24x24xf32>, vector<24x1xf32>, vector<24x1xf32> -> vector<24x1xf32>
    %sub3A_294 = arith.constant 1.000000e+00 : f32
    %sub3A_295 = vector.broadcast %sub3A_294 : f32 to vector<24x1xf32>
    %sub3A_296 = arith.subf %dot_general3A_293, %sub3A_295 : vector<24x1xf32>
    %mul3A_297 = arith.constant 5.000000e-01 : f32
    %mul3A_298 = vector.broadcast %mul3A_297 : f32 to vector<24x1xf32>
    %mul3A_299 = arith.mulf %sub3A_296, %mul3A_298 : vector<24x1xf32>
    %floor3A_300 = math.floor %mul3A_299 : vector<24x1xf32>
    %mul3A_301 = arith.constant 2.000000e+00 : f32
    %mul3A_302 = vector.broadcast %mul3A_301 : f32 to vector<24x1xf32>
    %mul3A_303 = arith.mulf %mul3A_302, %floor3A_300 : vector<24x1xf32>
    %sub3A_304 = arith.subf %sub3A_296, %mul3A_303 : vector<24x1xf32>
    %convert_element_type3A_305 = arith.fptosi %sub3A_304 : vector<24x1xf32> to vector<24x1xi32>
    %swap3A_306 = arith.constant 0 : index
    %swap3A_307 = arith.constant 0 : index
    %swap3A_308 = vector.load %arg7[%swap3A_306, %swap3A_307] : memref<24x1xi32, #tpu.memory_space<vmem>>, vector<24x1xi32>
    tpu.vector_store %arg7[%swap3A_306, %swap3A_307], %convert_element_type3A_305 {strides = array<i32>} : memref<24x1xi32, #tpu.memory_space<vmem>>, vector<24x1xi32>,
    %gt3A = arith.cmpf ogt, %broadcast_in_dim3A_252, %convert_element_type3A_250 : vector<24x8xf32>
    %jit3A_309 = arith.constant 2.400000e+01 : f32
    %broadcast_in_dim3A_310 = vector.broadcast %jit3A_309 : f32 to vector<24x8xf32>
    %select_n3A_311 = arith.select %gt3A, %broadcast_in_dim3A_252, %broadcast_in_dim3A_310 : vector<24x8xi1>, vector<24x8xf32>
    %reduce_min3A_312 = arith.constant dense<0x7F800000> : vector<24xf32>
    %reduce_min3A_313 = vector.multi_reduction <minimumf>, %select_n3A_311, %reduce_min3A_312 [1] : vector<24x8xf32> to vector<24xf32>
    %broadcast_in_dim3A_314 = vector.shape_cast %reduce_min3A_313 : vector<24xf32> to vector<24x1xf32>
    %lt3A_315 = vector.broadcast %broadcast_in_dim3A_78 : vector<1x1xf32> to vector<24x1xf32>
    %lt3A_316 = arith.cmpf olt, %broadcast_in_dim3A_314, %lt3A_315 : vector<24x1xf32>
    %convert_element_type3A_317 = arith.extui %lt3A_316 : vector<24x1xi1> to vector<24x1xi32>
    %convert_element_type3A_318 = arith.sitofp %convert_element_type3A_317 : vector<24x1xi32> to vector<24x1xf32>
    %broadcast_in_dim3A_319 = vector.shape_cast %broadcast_in_dim3A_314 : vector<24x1xf32> to vector<24x1xf32>
    %broadcast_in_dim3A_320 = vector.broadcast %broadcast_in_dim3A_319 : vector<24x1xf32> to vector<24x8xf32>
    %le3A_321 = arith.cmpf ole, %broadcast_in_dim3A_252, %broadcast_in_dim3A_320 : vector<24x8xf32>
    %convert_element_type3A_322 = arith.extui %le3A_321 : vector<24x8xi1> to vector<24x8xi32>
    %convert_element_type3A_323 = arith.sitofp %convert_element_type3A_322 : vector<24x8xi32> to vector<24x8xf32>
    %reduce_sum3A_324 = arith.constant dense<0.000000e+00> : vector<24xf32>
    %reduce_sum3A_325 = vector.multi_reduction <add>, %convert_element_type3A_323, %reduce_sum3A_324 [1] : vector<24x8xf32> to vector<24xf32>
    %broadcast_in_dim3A_326 = vector.shape_cast %reduce_sum3A_325 : vector<24xf32> to vector<24x1xf32>
    %sub3A_327 = arith.constant 1.000000e+00 : f32
    %sub3A_328 = vector.broadcast %sub3A_327 : f32 to vector<24x1xf32>
    %sub3A_329 = arith.subf %broadcast_in_dim3A_326, %sub3A_328 : vector<24x1xf32>
    %jit3A_330 = arith.constant 0.000000e+00 : f32
    %jit3A_331 = arith.constant 7.000000e+00 : f32
    %max3A_332 = vector.broadcast %jit3A_330 : f32 to vector<24x1xf32>
    %max3A_333 = arith.maximumf %max3A_332, %sub3A_329 : vector<24x1xf32>
    %min3A_334 = vector.broadcast %jit3A_331 : f32 to vector<24x1xf32>
    %min3A_335 = arith.minimumf %min3A_334, %max3A_333 : vector<24x1xf32>
    %convert_element_type3A_336 = arith.fptosi %min3A_335 : vector<24x1xf32> to vector<24x1xi32>
    %swap3A_337 = arith.constant 0 : index
    %swap3A_338 = arith.constant 0 : index
    %swap3A_339 = vector.load %arg8[%swap3A_337, %swap3A_338] : memref<24x1xi32, #tpu.memory_space<vmem>>, vector<24x1xi32>
    tpu.vector_store %arg8[%swap3A_337, %swap3A_338], %convert_element_type3A_336 {strides = array<i32>} : memref<24x1xi32, #tpu.memory_space<vmem>>, vector<24x1xi32>,
    %convert_element_type3A_340 = arith.fptosi %mul3A_287 : vector<24x1xf32> to vector<24x1xi32>
    %swap3A_341 = arith.constant 0 : index
    %swap3A_342 = arith.constant 0 : index
    %swap3A_343 = vector.load %arg6[%swap3A_341, %swap3A_342] : memref<24x1xi32, #tpu.memory_space<vmem>>, vector<24x1xi32>
    tpu.vector_store %arg6[%swap3A_341, %swap3A_342], %convert_element_type3A_340 {strides = array<i32>} : memref<24x1xi32, #tpu.memory_space<vmem>>, vector<24x1xi32>,
    %mul3A_344 = arith.mulf %mul3A_287, %convert_element_type3A_318 : vector<24x1xf32>
    %convert_element_type3A_345 = arith.fptosi %mul3A_344 : vector<24x1xf32> to vector<24x1xi32>
    %swap3A_346 = arith.constant 0 : index
    %swap3A_347 = arith.constant 0 : index
    %swap3A_348 = vector.load %arg9[%swap3A_346, %swap3A_347] : memref<24x1xi32, #tpu.memory_space<vmem>>, vector<24x1xi32>
    tpu.vector_store %arg9[%swap3A_346, %swap3A_347], %convert_element_type3A_345 {strides = array<i32>} : memref<24x1xi32, #tpu.memory_space<vmem>>, vector<24x1xi32>,
    return
  }
}

module attributes {stable_mosaic.version = 14 : i64} {
  func.func @_shared_body(%arg0: i32, %arg1: memref<256x1024xf32, #tpu.memory_space<vmem>>, %arg2: memref<2048x1024xf32, #tpu.memory_space<vmem>>, %arg3: memref<2048x1024xf32, #tpu.memory_space<vmem>>, %arg4: memref<1024x2048xf32, #tpu.memory_space<vmem>>, %arg5: memref<256x1024xf32, #tpu.memory_space<vmem>>, %arg6: memref<2048x1024xbf16, #tpu.memory_space<vmem>>, %arg7: memref<2048x1024xbf16, #tpu.memory_space<vmem>>, %arg8: memref<1024x2048xbf16, #tpu.memory_space<vmem>>) attributes {dimension_semantics = [#tpu.dimension_semantics<arbitrary>], iteration_bounds = array<i64: 4>, scalar_prefetch = 0 : i64, scratch_operands = 3 : i64, tpu.core_type = #tpu.core_type<tc>, window_params = [{transform_indices = @transform_0, window_bounds = array<i64: 256, 1024>}, {pipeline_mode = #tpu.pipeline_mode<synchronous>, transform_indices = @transform_1, window_bounds = array<i64: 2048, 1024>}, {pipeline_mode = #tpu.pipeline_mode<synchronous>, transform_indices = @transform_2, window_bounds = array<i64: 2048, 1024>}, {pipeline_mode = #tpu.pipeline_mode<synchronous>, transform_indices = @transform_3, window_bounds = array<i64: 1024, 2048>}, {transform_indices = @transform_4, window_bounds = array<i64: 256, 1024>}]} {
    %eq3A = arith.constant 0 : i32
    %eq3A_0 = arith.cmpi eq, %arg0, %eq3A : i32
    %convert_element_type3A = arith.extui %eq3A_0 : i1 to i32
    %cond3A = arith.constant 0 : i32
    %cond3A_1 = arith.cmpi ne, %convert_element_type3A, %cond3A : i32
    scf.if %cond3A_1 {
      %get3A_28 = arith.constant 0 : index
      %get3A_29 = arith.constant 0 : index
      %get3A_30 = vector.load %arg2[%get3A_28, %get3A_29] : memref<2048x1024xf32, #tpu.memory_space<vmem>>, vector<2048x1024xf32>
      %convert_element_type3A_31 = arith.truncf %get3A_30 : vector<2048x1024xf32> to vector<2048x1024xbf16>
      %swap3A_32 = arith.constant 0 : index
      %swap3A_33 = arith.constant 0 : index
      %swap3A_34 = vector.load %arg6[%swap3A_32, %swap3A_33] : memref<2048x1024xbf16, #tpu.memory_space<vmem>>, vector<2048x1024xbf16>
      tpu.vector_store %arg6[%swap3A_32, %swap3A_33], %convert_element_type3A_31 {strides = array<i32>} : memref<2048x1024xbf16, #tpu.memory_space<vmem>>, vector<2048x1024xbf16>,
      %get3A_35 = arith.constant 0 : index
      %get3A_36 = arith.constant 0 : index
      %get3A_37 = vector.load %arg3[%get3A_35, %get3A_36] : memref<2048x1024xf32, #tpu.memory_space<vmem>>, vector<2048x1024xf32>
      %convert_element_type3A_38 = arith.truncf %get3A_37 : vector<2048x1024xf32> to vector<2048x1024xbf16>
      %swap3A_39 = arith.constant 0 : index
      %swap3A_40 = arith.constant 0 : index
      %swap3A_41 = vector.load %arg7[%swap3A_39, %swap3A_40] : memref<2048x1024xbf16, #tpu.memory_space<vmem>>, vector<2048x1024xbf16>
      tpu.vector_store %arg7[%swap3A_39, %swap3A_40], %convert_element_type3A_38 {strides = array<i32>} : memref<2048x1024xbf16, #tpu.memory_space<vmem>>, vector<2048x1024xbf16>,
      %get3A_42 = arith.constant 0 : index
      %get3A_43 = arith.constant 0 : index
      %get3A_44 = vector.load %arg4[%get3A_42, %get3A_43] : memref<1024x2048xf32, #tpu.memory_space<vmem>>, vector<1024x2048xf32>
      %convert_element_type3A_45 = arith.truncf %get3A_44 : vector<1024x2048xf32> to vector<1024x2048xbf16>
      %swap3A_46 = arith.constant 0 : index
      %swap3A_47 = arith.constant 0 : index
      %swap3A_48 = vector.load %arg8[%swap3A_46, %swap3A_47] : memref<1024x2048xbf16, #tpu.memory_space<vmem>>, vector<1024x2048xbf16>
      tpu.vector_store %arg8[%swap3A_46, %swap3A_47], %convert_element_type3A_45 {strides = array<i32>} : memref<1024x2048xbf16, #tpu.memory_space<vmem>>, vector<1024x2048xbf16>,
    } else {
    }
    %get3A = arith.constant 0 : index
    %get3A_2 = arith.constant 0 : index
    %get3A_3 = vector.load %arg1[%get3A, %get3A_2] : memref<256x1024xf32, #tpu.memory_space<vmem>>, vector<256x1024xf32>
    %convert_element_type3A_4 = arith.truncf %get3A_3 : vector<256x1024xf32> to vector<256x1024xbf16>
    %get3A_5 = arith.constant 0 : index
    %get3A_6 = arith.constant 0 : index
    %get3A_7 = vector.load %arg6[%get3A_5, %get3A_6] : memref<2048x1024xbf16, #tpu.memory_space<vmem>>, vector<2048x1024xbf16>
    %dot_general3A = arith.constant dense<0.000000e+00> : vector<256x2048xf32>
    %dot_general3A_8 = tpu.matmul %convert_element_type3A_4, %get3A_7, %dot_general3A {dimension_numbers = #tpu.dot_dimension_numbers<[1], [1], [0], [0], [0, 0, 1, 0], [], []>, transpose_lhs_hint = false} : vector<256x1024xbf16>, vector<2048x1024xbf16>, vector<256x2048xf32> -> vector<256x2048xf32>
    %get3A_9 = arith.constant 0 : index
    %get3A_10 = arith.constant 0 : index
    %get3A_11 = vector.load %arg7[%get3A_9, %get3A_10] : memref<2048x1024xbf16, #tpu.memory_space<vmem>>, vector<2048x1024xbf16>
    %dot_general3A_12 = arith.constant dense<0.000000e+00> : vector<256x2048xf32>
    %dot_general3A_13 = tpu.matmul %convert_element_type3A_4, %get3A_11, %dot_general3A_12 {dimension_numbers = #tpu.dot_dimension_numbers<[1], [1], [0], [0], [0, 0, 1, 0], [], []>, transpose_lhs_hint = false} : vector<256x1024xbf16>, vector<2048x1024xbf16>, vector<256x2048xf32> -> vector<256x2048xf32>
    %logistic3A = arith.negf %dot_general3A_8 : vector<256x2048xf32>
    %logistic3A_14 = math.exp %logistic3A : vector<256x2048xf32>
    %logistic3A_15 = arith.constant 1.000000e+00 : f32
    %logistic3A_16 = vector.broadcast %logistic3A_15 : f32 to vector<256x2048xf32>
    %logistic3A_17 = arith.addf %logistic3A_16, %logistic3A_14 : vector<256x2048xf32>
    %logistic3A_18 = arith.divf %logistic3A_16, %logistic3A_17 : vector<256x2048xf32>
    %mul3A = arith.mulf %dot_general3A_8, %logistic3A_18 : vector<256x2048xf32>
    %mul3A_19 = arith.mulf %mul3A, %dot_general3A_13 : vector<256x2048xf32>
    %convert_element_type3A_20 = arith.truncf %mul3A_19 : vector<256x2048xf32> to vector<256x2048xbf16>
    %get3A_21 = arith.constant 0 : index
    %get3A_22 = arith.constant 0 : index
    %get3A_23 = vector.load %arg8[%get3A_21, %get3A_22] : memref<1024x2048xbf16, #tpu.memory_space<vmem>>, vector<1024x2048xbf16>
    %dot_general3A_24 = arith.constant dense<0.000000e+00> : vector<256x1024xf32>
    %dot_general3A_25 = tpu.matmul %convert_element_type3A_20, %get3A_23, %dot_general3A_24 {dimension_numbers = #tpu.dot_dimension_numbers<[1], [1], [0], [0], [0, 0, 1, 0], [], []>, transpose_lhs_hint = false} : vector<256x2048xbf16>, vector<1024x2048xbf16>, vector<256x1024xf32> -> vector<256x1024xf32>
    %swap3A = arith.constant 0 : index
    %swap3A_26 = arith.constant 0 : index
    %swap3A_27 = vector.load %arg5[%swap3A, %swap3A_26] : memref<256x1024xf32, #tpu.memory_space<vmem>>, vector<256x1024xf32>
    tpu.vector_store %arg5[%swap3A, %swap3A_26], %dot_general3A_25 {strides = array<i32>} : memref<256x1024xf32, #tpu.memory_space<vmem>>, vector<256x1024xf32>,
    return
  }
  func.func @transform_0(%arg0: i32) -> (i32, i32) {
    %add3A = arith.constant 0 : i32
    %add3A_0 = arith.addi %arg0, %add3A : i32
    %c0_i32 = arith.constant 0 : i32
    %c0_i32_1 = arith.constant 0 : i32
    return %add3A_0, %c0_i32 : i32, i32
  }
  func.func @transform_1(%arg0: i32) -> (i32, i32) {
    %c0_i32 = arith.constant 0 : i32
    %c0_i32_0 = arith.constant 0 : i32
    %c0_i32_1 = arith.constant 0 : i32
    return %c0_i32, %c0_i32_0 : i32, i32
  }
  func.func @transform_2(%arg0: i32) -> (i32, i32) {
    %c0_i32 = arith.constant 0 : i32
    %c0_i32_0 = arith.constant 0 : i32
    %c0_i32_1 = arith.constant 0 : i32
    return %c0_i32, %c0_i32_0 : i32, i32
  }
  func.func @transform_3(%arg0: i32) -> (i32, i32) {
    %c0_i32 = arith.constant 0 : i32
    %c0_i32_0 = arith.constant 0 : i32
    %c0_i32_1 = arith.constant 0 : i32
    return %c0_i32, %c0_i32_0 : i32, i32
  }
  func.func @transform_4(%arg0: i32) -> (i32, i32) {
    %c0_i32 = arith.constant 0 : i32
    %c0_i32_0 = arith.constant 0 : i32
    return %arg0, %c0_i32 : i32, i32
  }
}

module attributes {stable_mosaic.version = 14 : i64} {
  func.func @_shared_body(%arg0: i32, %arg1: memref<256x1024xf32, #tpu.memory_space<vmem>>, %arg2: memref<2048x1024xf32, #tpu.memory_space<vmem>>, %arg3: memref<2048x1024xf32, #tpu.memory_space<vmem>>, %arg4: memref<1024x2048xf32, #tpu.memory_space<vmem>>, %arg5: memref<256x1024xf32, #tpu.memory_space<vmem>>, %arg6: memref<2048x1024xbf16, #tpu.memory_space<vmem>>, %arg7: memref<2048x1024xbf16, #tpu.memory_space<vmem>>, %arg8: memref<1024x2048xbf16, #tpu.memory_space<vmem>>) attributes {dimension_semantics = [#tpu.dimension_semantics<arbitrary>], iteration_bounds = array<i64: 4>, scalar_prefetch = 0 : i64, scratch_operands = 3 : i64, tpu.core_type = #tpu.core_type<tc>, window_params = [{transform_indices = @transform_0, window_bounds = array<i64: 256, 1024>}, {pipeline_mode = #tpu.pipeline_mode<synchronous>, transform_indices = @transform_1, window_bounds = array<i64: 2048, 1024>}, {pipeline_mode = #tpu.pipeline_mode<synchronous>, transform_indices = @transform_2, window_bounds = array<i64: 2048, 1024>}, {pipeline_mode = #tpu.pipeline_mode<synchronous>, transform_indices = @transform_3, window_bounds = array<i64: 1024, 2048>}, {transform_indices = @transform_4, window_bounds = array<i64: 256, 1024>}]} {
    %eq3A = arith.constant 0 : i32
    %eq3A_0 = arith.cmpi eq, %arg0, %eq3A : i32
    %convert_element_type3A = arith.extui %eq3A_0 : i1 to i32
    %cond3A = arith.constant 0 : i32
    %cond3A_1 = arith.cmpi ne, %convert_element_type3A, %cond3A : i32
    scf.if %cond3A_1 {
      %get3A_28 = arith.constant 0 : index
      %get3A_29 = arith.constant 0 : index
      %get3A_30 = vector.load %arg2[%get3A_28, %get3A_29] : memref<2048x1024xf32, #tpu.memory_space<vmem>>, vector<2048x1024xf32>
      %convert_element_type3A_31 = arith.truncf %get3A_30 : vector<2048x1024xf32> to vector<2048x1024xbf16>
      %swap3A_32 = arith.constant 0 : index
      %swap3A_33 = arith.constant 0 : index
      %swap3A_34 = vector.load %arg6[%swap3A_32, %swap3A_33] : memref<2048x1024xbf16, #tpu.memory_space<vmem>>, vector<2048x1024xbf16>
      tpu.vector_store %arg6[%swap3A_32, %swap3A_33], %convert_element_type3A_31 {strides = array<i32>} : memref<2048x1024xbf16, #tpu.memory_space<vmem>>, vector<2048x1024xbf16>,
      %get3A_35 = arith.constant 0 : index
      %get3A_36 = arith.constant 0 : index
      %get3A_37 = vector.load %arg3[%get3A_35, %get3A_36] : memref<2048x1024xf32, #tpu.memory_space<vmem>>, vector<2048x1024xf32>
      %convert_element_type3A_38 = arith.truncf %get3A_37 : vector<2048x1024xf32> to vector<2048x1024xbf16>
      %swap3A_39 = arith.constant 0 : index
      %swap3A_40 = arith.constant 0 : index
      %swap3A_41 = vector.load %arg7[%swap3A_39, %swap3A_40] : memref<2048x1024xbf16, #tpu.memory_space<vmem>>, vector<2048x1024xbf16>
      tpu.vector_store %arg7[%swap3A_39, %swap3A_40], %convert_element_type3A_38 {strides = array<i32>} : memref<2048x1024xbf16, #tpu.memory_space<vmem>>, vector<2048x1024xbf16>,
      %get3A_42 = arith.constant 0 : index
      %get3A_43 = arith.constant 0 : index
      %get3A_44 = vector.load %arg4[%get3A_42, %get3A_43] : memref<1024x2048xf32, #tpu.memory_space<vmem>>, vector<1024x2048xf32>
      %convert_element_type3A_45 = arith.truncf %get3A_44 : vector<1024x2048xf32> to vector<1024x2048xbf16>
      %swap3A_46 = arith.constant 0 : index
      %swap3A_47 = arith.constant 0 : index
      %swap3A_48 = vector.load %arg8[%swap3A_46, %swap3A_47] : memref<1024x2048xbf16, #tpu.memory_space<vmem>>, vector<1024x2048xbf16>
      tpu.vector_store %arg8[%swap3A_46, %swap3A_47], %convert_element_type3A_45 {strides = array<i32>} : memref<1024x2048xbf16, #tpu.memory_space<vmem>>, vector<1024x2048xbf16>,
    } else {
    }
    %get3A = arith.constant 0 : index
    %get3A_2 = arith.constant 0 : index
    %get3A_3 = vector.load %arg1[%get3A, %get3A_2] : memref<256x1024xf32, #tpu.memory_space<vmem>>, vector<256x1024xf32>
    %convert_element_type3A_4 = arith.truncf %get3A_3 : vector<256x1024xf32> to vector<256x1024xbf16>
    %get3A_5 = arith.constant 0 : index
    %get3A_6 = arith.constant 0 : index
    %get3A_7 = vector.load %arg6[%get3A_5, %get3A_6] : memref<2048x1024xbf16, #tpu.memory_space<vmem>>, vector<2048x1024xbf16>
    %dot_general3A = arith.constant dense<0.000000e+00> : vector<256x2048xf32>
    %dot_general3A_8 = tpu.matmul %convert_element_type3A_4, %get3A_7, %dot_general3A {dimension_numbers = #tpu.dot_dimension_numbers<[1], [1], [0], [0], [0, 0, 1, 0], [], []>, transpose_lhs_hint = false} : vector<256x1024xbf16>, vector<2048x1024xbf16>, vector<256x2048xf32> -> vector<256x2048xf32>
    %get3A_9 = arith.constant 0 : index
    %get3A_10 = arith.constant 0 : index
    %get3A_11 = vector.load %arg7[%get3A_9, %get3A_10] : memref<2048x1024xbf16, #tpu.memory_space<vmem>>, vector<2048x1024xbf16>
    %dot_general3A_12 = arith.constant dense<0.000000e+00> : vector<256x2048xf32>
    %dot_general3A_13 = tpu.matmul %convert_element_type3A_4, %get3A_11, %dot_general3A_12 {dimension_numbers = #tpu.dot_dimension_numbers<[1], [1], [0], [0], [0, 0, 1, 0], [], []>, transpose_lhs_hint = false} : vector<256x1024xbf16>, vector<2048x1024xbf16>, vector<256x2048xf32> -> vector<256x2048xf32>
    %logistic3A = arith.negf %dot_general3A_8 : vector<256x2048xf32>
    %logistic3A_14 = math.exp %logistic3A : vector<256x2048xf32>
    %logistic3A_15 = arith.constant 1.000000e+00 : f32
    %logistic3A_16 = vector.broadcast %logistic3A_15 : f32 to vector<256x2048xf32>
    %logistic3A_17 = arith.addf %logistic3A_16, %logistic3A_14 : vector<256x2048xf32>
    %logistic3A_18 = arith.divf %logistic3A_16, %logistic3A_17 : vector<256x2048xf32>
    %mul3A = arith.mulf %dot_general3A_8, %logistic3A_18 : vector<256x2048xf32>
    %mul3A_19 = arith.mulf %mul3A, %dot_general3A_13 : vector<256x2048xf32>
    %convert_element_type3A_20 = arith.truncf %mul3A_19 : vector<256x2048xf32> to vector<256x2048xbf16>
    %get3A_21 = arith.constant 0 : index
    %get3A_22 = arith.constant 0 : index
    %get3A_23 = vector.load %arg8[%get3A_21, %get3A_22] : memref<1024x2048xbf16, #tpu.memory_space<vmem>>, vector<1024x2048xbf16>
    %dot_general3A_24 = arith.constant dense<0.000000e+00> : vector<256x1024xf32>
    %dot_general3A_25 = tpu.matmul %convert_element_type3A_20, %get3A_23, %dot_general3A_24 {dimension_numbers = #tpu.dot_dimension_numbers<[1], [1], [0], [0], [0, 0, 1, 0], [], []>, transpose_lhs_hint = false} : vector<256x2048xbf16>, vector<1024x2048xbf16>, vector<256x1024xf32> -> vector<256x1024xf32>
    %swap3A = arith.constant 0 : index
    %swap3A_26 = arith.constant 0 : index
    %swap3A_27 = vector.load %arg5[%swap3A, %swap3A_26] : memref<256x1024xf32, #tpu.memory_space<vmem>>, vector<256x1024xf32>
    tpu.vector_store %arg5[%swap3A, %swap3A_26], %dot_general3A_25 {strides = array<i32>} : memref<256x1024xf32, #tpu.memory_space<vmem>>, vector<256x1024xf32>,
    return
  }
  func.func @transform_0(%arg0: i32) -> (i32, i32) {
    %add3A = arith.constant 4 : i32
    %add3A_0 = arith.addi %arg0, %add3A : i32
    %c0_i32 = arith.constant 0 : i32
    %c0_i32_1 = arith.constant 0 : i32
    return %add3A_0, %c0_i32 : i32, i32
  }
  func.func @transform_1(%arg0: i32) -> (i32, i32) {
    %c0_i32 = arith.constant 0 : i32
    %c0_i32_0 = arith.constant 0 : i32
    %c0_i32_1 = arith.constant 0 : i32
    return %c0_i32, %c0_i32_0 : i32, i32
  }
  func.func @transform_2(%arg0: i32) -> (i32, i32) {
    %c0_i32 = arith.constant 0 : i32
    %c0_i32_0 = arith.constant 0 : i32
    %c0_i32_1 = arith.constant 0 : i32
    return %c0_i32, %c0_i32_0 : i32, i32
  }
  func.func @transform_3(%arg0: i32) -> (i32, i32) {
    %c0_i32 = arith.constant 0 : i32
    %c0_i32_0 = arith.constant 0 : i32
    %c0_i32_1 = arith.constant 0 : i32
    return %c0_i32, %c0_i32_0 : i32, i32
  }
  func.func @transform_4(%arg0: i32) -> (i32, i32) {
    %c0_i32 = arith.constant 0 : i32
    %c0_i32_0 = arith.constant 0 : i32
    return %arg0, %c0_i32 : i32, i32
  }
}

module attributes {stable_mosaic.version = 14 : i64} {
  func.func @_combine_body(%arg0: i32, %arg1: memref<1x256x1024xf32, #tpu.memory_space<vmem>>, %arg2: memref<1x256x1024xf32, #tpu.memory_space<vmem>>, %arg3: memref<256x2xf32, #tpu.memory_space<vmem>>, %arg4: memref<256x1024xf32, #tpu.memory_space<vmem>>, %arg5: memref<256x1024xf32, #tpu.memory_space<vmem>>, %arg6: memref<256x1024xf32, #tpu.memory_space<vmem>>) attributes {dimension_semantics = [#tpu.dimension_semantics<parallel>], iteration_bounds = array<i64: 8>, scalar_prefetch = 0 : i64, scratch_operands = 0 : i64, tpu.core_type = #tpu.core_type<tc>, window_params = [{transform_indices = @transform_0, window_bounds = array<i64: 1, 256, 1024>}, {transform_indices = @transform_1, window_bounds = array<i64: 1, 256, 1024>}, {transform_indices = @transform_2, window_bounds = array<i64: 256, 2>}, {transform_indices = @transform_3, window_bounds = array<i64: 256, 1024>}, {transform_indices = @transform_4, window_bounds = array<i64: 256, 1024>}, {transform_indices = @transform_5, window_bounds = array<i64: 256, 1024>}]} {
    %get3A = arith.constant 0 : index
    %get3A_0 = arith.constant 0 : index
    %get3A_1 = vector.load %arg3[%get3A, %get3A_0] : memref<256x2xf32, #tpu.memory_space<vmem>>, vector<256x1xf32>
    %get3A_2 = vector.shape_cast %get3A_1 : vector<256x1xf32> to vector<256xf32>
    %get3A_3 = arith.constant 0 : index
    %get3A_4 = arith.constant 1 : index
    %get3A_5 = vector.load %arg3[%get3A_3, %get3A_4] : memref<256x2xf32, #tpu.memory_space<vmem>>, vector<256x1xf32>
    %get3A_6 = vector.shape_cast %get3A_5 : vector<256x1xf32> to vector<256xf32>
    %lt3A = arith.constant 4 : i32
    %lt3A_7 = arith.cmpi slt, %arg0, %lt3A : i32
    %get3A_8 = arith.constant 0 : index
    %get3A_9 = arith.constant 0 : index
    %get3A_10 = vector.load %arg4[%get3A_8, %get3A_9] : memref<256x1024xf32, #tpu.memory_space<vmem>>, vector<256x1024xf32>
    %get3A_11 = arith.constant 0 : index
    %get3A_12 = arith.constant 0 : index
    %get3A_13 = vector.load %arg5[%get3A_11, %get3A_12] : memref<256x1024xf32, #tpu.memory_space<vmem>>, vector<256x1024xf32>
    %select_n3A = arith.select %lt3A_7, %get3A_10, %get3A_13 : vector<256x1024xf32>
    %broadcast_in_dim3A = vector.shape_cast %get3A_2 : vector<256xf32> to vector<256x1xf32>
    %get3A_14 = arith.constant 0 : index
    %get3A_15 = arith.constant 0 : index
    %get3A_16 = arith.constant 0 : index
    %get3A_17 = vector.load %arg1[%get3A_14, %get3A_15, %get3A_16] : memref<1x256x1024xf32, #tpu.memory_space<vmem>>, vector<1x256x1024xf32>
    %get3A_18 = vector.shape_cast %get3A_17 : vector<1x256x1024xf32> to vector<256x1024xf32>
    %mul3A = vector.broadcast %broadcast_in_dim3A : vector<256x1xf32> to vector<256x1024xf32>
    %mul3A_19 = arith.mulf %mul3A, %get3A_18 : vector<256x1024xf32>
    %broadcast_in_dim3A_20 = vector.shape_cast %get3A_6 : vector<256xf32> to vector<256x1xf32>
    %get3A_21 = arith.constant 0 : index
    %get3A_22 = arith.constant 0 : index
    %get3A_23 = arith.constant 0 : index
    %get3A_24 = vector.load %arg2[%get3A_21, %get3A_22, %get3A_23] : memref<1x256x1024xf32, #tpu.memory_space<vmem>>, vector<1x256x1024xf32>
    %get3A_25 = vector.shape_cast %get3A_24 : vector<1x256x1024xf32> to vector<256x1024xf32>
    %mul3A_26 = vector.broadcast %broadcast_in_dim3A_20 : vector<256x1xf32> to vector<256x1024xf32>
    %mul3A_27 = arith.mulf %mul3A_26, %get3A_25 : vector<256x1024xf32>
    %add3A = arith.addf %mul3A_19, %mul3A_27 : vector<256x1024xf32>
    %add3A_28 = arith.addf %add3A, %select_n3A : vector<256x1024xf32>
    %swap3A = arith.constant 0 : index
    %swap3A_29 = arith.constant 0 : index
    %swap3A_30 = vector.load %arg6[%swap3A, %swap3A_29] : memref<256x1024xf32, #tpu.memory_space<vmem>>, vector<256x1024xf32>
    tpu.vector_store %arg6[%swap3A, %swap3A_29], %add3A_28 {strides = array<i32>} : memref<256x1024xf32, #tpu.memory_space<vmem>>, vector<256x1024xf32>,
    return
  }
  func.func @transform_0(%arg0: i32) -> (i32, i32, i32) {
    %c0_i32 = arith.constant 0 : i32
    %c0_i32_0 = arith.constant 0 : i32
    %c0_i32_1 = arith.constant 0 : i32
    return %c0_i32, %arg0, %c0_i32_0 : i32, i32, i32
  }
  func.func @transform_1(%arg0: i32) -> (i32, i32, i32) {
    %c1_i32 = arith.constant 1 : i32
    %c0_i32 = arith.constant 0 : i32
    %c0_i32_0 = arith.constant 0 : i32
    return %c1_i32, %arg0, %c0_i32 : i32, i32, i32
  }
  func.func @transform_2(%arg0: i32) -> (i32, i32) {
    %c0_i32 = arith.constant 0 : i32
    %c0_i32_0 = arith.constant 0 : i32
    return %arg0, %c0_i32 : i32, i32
  }
  func.func @transform_3(%arg0: i32) -> (i32, i32) {
    %min3A = arith.constant 3 : i32
    %min3A_0 = arith.minsi %arg0, %min3A : i32
    %c0_i32 = arith.constant 0 : i32
    %c0_i32_1 = arith.constant 0 : i32
    return %min3A_0, %c0_i32 : i32, i32
  }
  func.func @transform_4(%arg0: i32) -> (i32, i32) {
    %sub3A = arith.constant 4 : i32
    %sub3A_0 = arith.subi %arg0, %sub3A : i32
    %max3A = arith.constant 0 : i32
    %max3A_1 = arith.maxsi %sub3A_0, %max3A : i32
    %c0_i32 = arith.constant 0 : i32
    %c0_i32_2 = arith.constant 0 : i32
    return %max3A_1, %c0_i32 : i32, i32
  }
  func.func @transform_5(%arg0: i32) -> (i32, i32) {
    %c0_i32 = arith.constant 0 : i32
    %c0_i32_0 = arith.constant 0 : i32
    return %arg0, %c0_i32 : i32, i32
  }
}

</mosaic_0001>

<sc_bundles>
// kernel: kernel.12.cloned.1.call-start
scs
__scs_entry_jumppad:
0x0: {  	(pc) =	sbr.rel $0x88, $3  }
0x1: {  	(tag) =	ssettag $0x0;
	lr =	simm.s32 $0x1  }
0x2: {  	[smem:$0x3F99] =	sst lr;
	_ =	strace $0xD0000000  }
0x3: {  	_ = 	snop  }
0x4: {  	_ = 	snop  }
0x5: {  	_ = 	snop  }
0x6: {  	_ = 	snop  }
0x7: {  	_ = 	snop  }
__scs_overlays_trampoline_lowered:
0x8: {  	[smem:$0x3FA8] =	sst s0  }
0x9: {  	[smem:$0x3FA9] =	sst s1  }
0xa: {  	[smem:$0x3FAA] =	sst s2  }
0xb: {  	[smem:$0x3FAB] =	sst s3  }
0xc: {  	[smem:$0x3FAC] =	sst s4  }
0xd: {  	[smem:$0x3FAD] =	sst s5  }
0xe: {  	[smem:$0x3FAE] =	sst s6  }
0xf: {  	[smem:$0x3FAF] =	sst s7  }
0x10: {  	[smem:$0x3FB0] =	sst s8  }
0x11: {  	[smem:$0x3FB1] =	sst s9;
	s0 =	simm.s32 @!p0 $0x0  }
0x12: {  	s1 =	sld [smem:$0x3F97];
	s0 =	simm.s32 @p0 $0x1  }
0x13: {  	[smem:$0x3FB2] =	sst s0;
	s0 =	simm.s32 @!p1 $0x0  }
0x14: {  	s2 =	sld [smem:$0x3F96];
	s0 =	simm.s32 @p1 $0x1  }
0x15: {  	[smem:$0x3FB3] =	sst s0;
	s0 =	simm.s32 @!p2 $0x0  }
0x16: {  	s3 =	sld [smem:$0x3FDB];
	s0 =	simm.s32 @p2 $0x1  }
0x17: {  	s4 =	simm.s32 $0x1BF5;
	[smem:$0x3FB5] =	sst s0  }
0x18: {  	s0 =	sld [smem:$0x3F98];
	_ =	swait.ge [sflag:s4], $0x0  }
0x19: {  	s7 =	sld [smem:$0x3F99]  }
0x1a: {  	s8 =	sadd.s32 $0xFFFFE003, lr  }
0x1b: {  	s9 =	sadd.s32 $0xFFFFFEF7, lr;
	s5 =	simm.s32 $0xFFFFFFFF;
	p2 =	slt.u32 s8, $0xFFFFF086  }
0x1c: {  	p1 =	slt.u32 s9, $0xF7A;
	s5 =	simm.s32 @!p2 $0x0  }
0x1d: {  	s5 =	simm.s32 @p1 $0x1;
	p0 =	seq.s32 s7, s2  }
0x1e: {  	s7 =	smul.u32 @!p0 $0xF7A, s2;
	p2 =	seq.s32 @!p0 s5, $0x0  }
0x1f: {  	s9 =	smul.u32 $0xF7A, s1;
	s8 =	simm.s32 @!p0 $0x1BF5;
	p2 =	por !p2, p0  }
0x20: {  	[sflag:s8] =	ssyncset.s32 @!p0 $0xFFFFF086;
	s6 =	sadd.s32 @!p0 s3, s7;
	s7 =	simm.s32 @!p0 $0x108  }
0x21: {  	s3 =	sadd.s32 s3, s9;
	s6 =	sadd.s32 @!p0 $0x88, s6;
	s7 =	simm.s32 @p2 $0x1082  }
0x22: {  	[simem:s7], [sflag:s8] =	dma.local @!p0 [hbm:s6], $0xF7A  }
0x23: {  	s9 =	sor.u32 $0xD0000000, s2;
	s6 =	simm.s32 $0x108;
	_ =	swait.ge @!p0 [sflag:s8], $0x0  }
0x24: {  	s3 =	sadd.s32 $0x88, s3;
	s6 =	simm.s32 @!p1 $0x1082;
	[sflag:s4] =	ssyncset.s32 $0xFFFFF086  }
0x25: {  	[simem:s6], [sflag:s4] =	dma.local [hbm:s3], $0xF7A  }
0x26: {  	[smem:$0x3F99] =	sst s1;
	(tag) =	ssettag s2;
	_ =	strace s9  }
0x27: {  	s1 =	sld [smem:$0x3FA9]  }
0x28: {  	s2 =	sld [smem:$0x3FAA]  }
0x29: {  	s4 =	sld [smem:$0x3FAC]  }
0x2a: {  	p0 =	seq.s32 s5, $0x0;
	s5 =	sld [smem:$0x3FAD]  }
0x2b: {  	s6 =	sld [smem:$0x3FAE]  }
0x2c: {  	s7 =	sld [smem:$0x3FAF]  }
0x2d: {  	s3 =	simm.s32 $0x108;
	s8 =	sld [smem:$0x3FB0]  }
0x2e: {  	s3 =	simm.s32 @!p0 $0x1082;
	s9 =	sld [smem:$0x3FB1]  }
0x2f: {  	lr =	sadd.s32 s0, s3;
	s0 =	sld [smem:$0x3FA8]  }
0x30: {  	s3 =	sld [smem:$0x3FAB]  }
0x31: {  	[smem:$0x3FB4] =	sst s10  }
0x32: {  	s10 =	sld [smem:$0x3FB2];
	_ =	sdelay $0x3  }
0x33: {  	p0 =	seq.s32 s10, $0x1;
	s10 =	sld [smem:$0x3FB4];
	_ =	sdelay $0x3  }
0x34: {  	[smem:$0x3FB4] =	sst s10  }
0x35: {  	s10 =	sld [smem:$0x3FB3];
	_ =	sdelay $0x3  }
0x36: {  	p1 =	seq.s32 s10, $0x1;
	s10 =	sld [smem:$0x3FB4];
	_ =	sdelay $0x3  }
0x37: {  	[smem:$0x3FB4] =	sst s10  }
0x38: {  	s10 =	sld [smem:$0x3FB5]  }
0x39: {  	_ = 	snop;
	(pc) =	sbr.ind lr, $3  }
0x3a: {  	_ = 	snop  }
0x3b: {  	_ = 	snop  }
0x3c: {  	p2 =	seq.s32 s10, $0x1;
	s10 =	sld [smem:$0x3FB4]  }
0x3d: {  	_ =	shalt  }
0x3e: {  	_ =	shalt  }
0x3f: {  	_ =	shalt  }
0x40: {  	_ =	shalt  }
0x41: {  	_ =	shalt  }
0x42: {  	_ =	shalt  }
0x43: {  	_ =	shalt  }
0x44: {  	_ =	shalt  }
0x45: {  	_ =	shalt  }
0x46: {  	_ =	shalt  }
0x47: {  	_ =	shalt  }
0x48: {  	_ =	shalt  }
0x49: {  	_ =	shalt  }
0x4a: {  	_ =	shalt  }
0x4b: {  	_ =	shalt  }
0x4c: {  	_ =	shalt  }
0x4d: {  	_ =	shalt  }
0x4e: {  	_ =	shalt  }
0x4f: {  	_ =	shalt  }
0x50: {  	_ =	shalt  }
0x51: {  	_ =	shalt  }
0x52: {  	_ =	shalt  }
0x53: {  	_ =	shalt  }
0x54: {  	_ =	shalt  }
0x55: {  	_ =	shalt  }
0x56: {  	_ =	shalt  }
0x57: {  	_ =	shalt  }
0x58: {  	_ =	shalt  }
0x59: {  	_ =	shalt  }
0x5a: {  	_ =	shalt  }
0x5b: {  	_ =	shalt  }
0x5c: {  	_ =	shalt  }
0x5d: {  	_ =	shalt  }
0x5e: {  	_ =	shalt  }
0x5f: {  	_ =	shalt  }
0x60: {  	_ =	shalt  }
0x61: {  	_ =	shalt  }
0x62: {  	_ =	shalt  }
0x63: {  	_ =	shalt  }
0x64: {  	_ =	shalt  }
0x65: {  	_ =	shalt  }
0x66: {  	_ =	shalt  }
0x67: {  	_ =	shalt  }
0x68: {  	_ =	shalt  }
0x69: {  	_ =	shalt  }
0x6a: {  	_ =	shalt  }
0x6b: {  	_ =	shalt  }
0x6c: {  	_ =	shalt  }
0x6d: {  	_ =	shalt  }
0x6e: {  	_ =	shalt  }
0x6f: {  	_ =	shalt  }
0x70: {  	_ =	shalt  }
0x71: {  	_ =	shalt  }
0x72: {  	_ =	shalt  }
0x73: {  	_ =	shalt  }
0x74: {  	_ =	shalt  }
0x75: {  	_ =	shalt  }
0x76: {  	_ =	shalt  }
0x77: {  	_ =	shalt  }
0x78: {  	_ =	shalt  }
0x79: {  	_ =	shalt  }
0x7a: {  	_ =	shalt  }
0x7b: {  	_ =	shalt  }
0x7c: {  	_ =	shalt  }
0x7d: {  	_ =	shalt  }
0x7e: {  	_ =	shalt  }
0x7f: {  	_ =	shalt  }
0x80: {  	_ =	shalt  }
0x81: {  	_ =	shalt  }
0x82: {  	_ =	shalt  }
0x83: {  	_ =	shalt  }
0x84: {  	_ =	shalt  }
0x85: {  	_ =	shalt  }
0x86: {  	_ =	shalt  }
0x87: {  	_ =	shalt  }
.Lfunc_end0:
.L_simem_size_0:
called_computation.1_lowered:
.L_overlay_start_0:
0x88: {  	s2 =	sld [smem:$0x3FD9]  }
0x89: {  	s3 =	sld [smem:$0x3FFE];
	_ =	sdelay $0x1  }
0x8a: {  	s1 =	srdreg.scid  }
0x8b: {  	s0 =	sand.u32 $0x1, s1  }
0x8c: {  	s16 =	sshll.u32 s0, $0xA;
	s2 =	sadd.s32 s3, s2  }
0x8d: {  	s2 =	sadd.s32 s2, s16  }
0x8e: {  	[smem:$0x3FC0] =	sst s2  }
0x8f: {  	_ = 	snop  }
0x90: {  	(tm) =	ssettm $0x1  }
0x91: {  	s17 =	sld [smem:$0x3FFB];
	_ =	sdelay $0x3  }
0x92: {  	_ =	strace s17  }
0x93: {  	s2 =	sld [smem:$0x3FFC];
	_ =	sdelay $0x3  }
0x94: {  	_ =	strace s2  }
0x95: {  	s2 =	sld [smem:$0x3FFD];
	_ =	sdelay $0x3  }
0x96: {  	_ =	strace s2  }
0x97: {  	_ =	strace $0x8FFFFFFF  }
0x98: {  	s18 =	sld [smem:$0x3FDB];
	_ =	sdelay $0x1  }
0x99: {  	s19 =	simm.s32 $_scs_section_size  }
0x9a: {  	s4 =	simm.s32 $_size__tile_overlayer_lowered;
	s5 =	simm.s32 $_tile_overlayer_lowered  }
0x9b: {  	s22 =	simm.s32 $0x1BFF;
	s21 =	sshll.u32 s5, $0x1;
	s2 =	sadd.s32 s19, s18  }
0x9c: {  	s6 =	simm.s32 $0x0;
	s20 =	sshll.u32 s4, $0x1;
	s4 =	sadd.s32 s21, s2  }
0x9d: {  	[timem:s6], [sflag:s22] =	dma.local [hbm:s4], s20  }
0x9e: {  	_ =	swait.ge [sflag:s22], s20  }
0x9f: {  	s3 =	ssub.s32 $0x0, s20;
	[sflag:s22] =	ssyncset.done $0x0  }
0xa0: {  	[sflag:s22] =	ssyncadd.s32 s3;
	_ =	sdelay $0x1  }
0xa1: {  	s23 =	simm.s32 $0x1B8B  }
0xa2: {  	_ =	swait.ge [sflag:s23], $0x1  }
0xa3: {  	[sflag:s23] =	ssyncset.done $0x0  }
0xa4: {  	s25 =	simm.s32 $0x1B8E;
	s24 =	sld [smem:$0x3FFE];
	[sflag:s23] =	ssyncadd.s32 $0xFFFFFFFF  }
0xa5: {  	s26 =	simm.s32 $execute0_lowered;
	[smem:$0x3FD2] =	sst s25  }
0xa6: {  	s4 =	sshll.u32 s26, $0x1;
	_ =	strace $0x80000049;
	[dreg:$0x1] =	wrdreg $0xFFFFFFFF  }
0xa7: {  	s28 =	simm.s32 $_size_execute0_lowered;
	s2 =	sadd.s32 s2, s4;
	[dreg:$0x0] =	wrdreg $0x0  }
0xa8: {  	s4 =	sshll.u32 s28, $0x1;
	[dreg:$0x2] =	wrdreg s2  }
0xa9: {  	[dreg:$0x3] =	wrdreg s4  }
0xaa: {  	[dreg:$0x4] =	wrdreg $0xC0  }
0xab: {  	_ =	task [dreg:s6], $0x5FFFF  }
0xac: {  	[dreg:$0x1] =	wrdreg $0xFFFFFFFF  }
0xad: {  	[dreg:$0x0] =	wrdreg $0x60  }
0xae: {  	[dreg:$0x2] =	wrdreg s24  }
0xaf: {  	[dreg:$0x3] =	wrdreg $0x9  }
0xb0: {  	_ =	task.clear_ibuf [dreg:s6], $0x4FFFF;
	_ =	strace $0x90000049  }
0xb1: {  	s29 =	simm.s32 $0x9;
	_ =	strace $0x8000004B  }
0xb2: {  	_ =	swait.ge [sflag:s29], $0x1  }
0xb3: {  	[sflag:s29] =	ssyncadd.s32 $0xFFFFFFFF  }
0xb4: {  	_ =	strace $0x9000004B  }
0xb5: {  	_ =	sfence  }
0xb6: {  	s30 =	sld [smem:$0x0];
	_ =	sdelay $0x2  }
0xb7: {  	s31 =	sshll.u32 s1, $0xD;
	s1 =	sshrl.u32 s1, $0x2  }
0xb8: {  	s3 =	sand.u32 $0x4000, s31;
	s1 =	sadd.s32 s1, s30  }
0xb9: {  	s0 =	sor.u32 s3, s0;
	s1 =	sshll.u32 s1, $0x11  }
0xba: {  	s0 =	sor.u32 s1, s0  }
0xbb: {  	s0 =	sadd.s32 $0x8F2B, s0  }
0xbc: {  	[sflag:s0] =	ssyncadd.remote.s32 $0x1  }
0xbd: {  	_ =	sfence.sel $0xFFFF  }
0xbe: {  	[dreg:$0x0] =	wrdreg $0xFFFFFFFF;
	(pc) =	sbr.abs _section_cstart, $3  }
0xbf: {  	[dreg:$0x1] =	wrdreg $0xFFFFFFFF  }
0xc0: {  	_ =	task.clear_ibuf [dreg:s6], $0x2FFFF;
	_ =	strace $0x9FFFFFFF  }
0xc1: {  	(tm) =	ssettm $0x7FFFFFFF  }
tec
execute0_lowered:
.L_overlay_start_1:
0x0: {  	(tag) =	ssettag $0x1  }
0x1: {  	s0 =	rddreg [dreg:$0x0]  }
0x2: {  	s2 =	simm.s32 $0x0;
	s1 =	srdreg.scid;
	s3 =	stileid.u32  }
0x3: {  	s19 =	simm.s32 $0x3;
	s20 =	simm.s32 $0x2;
	s21 =	simm.s32 $0x4  }
0x4: {  	s23 =	simm.s32 $0xA00;
	s28 =	simm.s32 $0x2200;
	s29 =	simm.s32 $0x2A00  }
0x5: {  	s30 =	simm.s32 $0x3200;
	s31 =	simm.s32 $0x3A00;
	s10 =	simm.s32 $0x5200  }
0x6: {  	s11 =	simm.s32 $0x5A00;
	s12 =	simm.s32 $0x6200;
	s13 =	simm.s32 $0x6A00  }
0x7: {  	s14 =	simm.s32 $0x7200;
	s15 =	simm.s32 $0x7A00;
	s18 =	simm.s32 $0x8200  }
0x8: {  	s16 =	simm.s32 $0x8A00;
	s17 =	simm.s32 $0x9200;
	[smem:$0x7FF] =	sst s2  }
0x9: {  	s1 =	sand.u32 $0x1, s1;
	s4 =	sshll.u32 s3, $0x1;
	s3 =	sadd.s32 $0xC0800, s0  }
0xa: {  	_ =	strace $0x8000004A;
	s4 =	sor.u32 s1, s4;
	s1 =	ssub.s32 $0x2, s1  }
0xb: {  	s5 =	sshll.u32 s4, $0xE;
	s4 =	sshll.u32 s4, $0x6;
	s24 =	sshrl.u32 s1, $0x1  }
0xc: {  	s7 =	sadd.s32 s5, s0;
	s4 =	sadd.s32 s0, s4;
	s1 =	ssub.s32 s1, s24  }
0xd: {  	s5 =	sadd.s32 $0xC0A00, s0;
	[dreg:$0x2] =	wrdreg s4;
	s25 =	sadd.s32 $0x800, s7  }
0xe: {  	s24 =	simm.s32 $0x1200;
	s6 =	sadd.s32 $0x1800, s7;
	[dreg:$0x3] =	wrdreg s25  }
0xf: {  	s4 =	sadd.s32 $0xC0900, s0;
	s8 =	sadd.s32 $0x2800, s7;
	[dreg:$0x4] =	wrdreg s6  }
0x10: {  	v2 =	vlaneseq.u32;
	s26 =	sadd.s32 $0x3800, s7;
	s7 =	smax.u32 s1, $0x1;
	[dreg:$0x5] =	wrdreg s8  }
0x11: {  	vm0 =	vmmov $0xffff;
	v1 =	vshrl.u32 v2, $0x3;
	s1 =	simm.s32 $0x4A00;
	s6 =	sadd.s32 $0xC0B00, s0;
	[dreg:$0x6] =	wrdreg s26  }
0x12: {  	v0 =	vand.u32 $0x7, v2;
	v2 =	vor.u32 $0x8, v2;
	v1 =	vmul.u32 $0x8, v1;
	s8 =	simm.s32 $0x1;
	s25 =	simm.s32 $0x200;
	s26 =	simm.s32 $0x1A00  }
.LBB2_1:
0x13: {  	s22 =	rddreg [dreg:$0x2];
	s0 =	simm.s32 $0x5  }
0x14: {  	[tilespmem:s2], [sflag:$0x5] =	stream.linear.gather [hbm4b:s22+s2], $0x200, $0x38;
	[tilespmem:$0x10200] =	vst v63  }
0x15: {  	_ =	swait.ge [sflag:s0], $0x200  }
0x16: {  	[sflag:s0] =	ssyncset.done $0x0  }
0x17: {  	[sflag:s0] =	ssyncadd.s32 $0xFFFFFE00  }
0x18: {  	v3 =	vld [tilespmem:$0x0];
	_ =	sdelay $0x4  }
0x19: {  	v4 =	vshll.u32 v3, $0x3  }
0x1a: {  	v3 =	vand.u32 $0x7, v3;
	v4 =	vand.u32 $0xFFFFFFC0, v4  }
0x1b: {  	v3 =	vor.u32 v3, v4  }
0x1c: {  	v4 =	vperm.xlane v3, v0;
	_ =	sdelay $0x1  }
0x1d: {  	v4 =	vadd.s32 v1, v4;
	_ =	sdelay $0x4  }
0x1e: {  	[tilespmem:s25], [sflag:$0x1] =	stream.indirect_vreg.gather [hbm4b:s3+s2], $0x80, v4, vm0, $0xb8;
	[tilespmem:$0x10200] =	vst v63  }
0x1f: {  	v3 =	vperm.xlane v3, v2  }
0x20: {  	[tilespmem:s23], [sflag:$0x1] =	stream.indirect_vreg.gather [hbm4b:s4+s2], $0x80, v4, vm0, $0xb8;
	[tilespmem:$0x10200] =	vst v63  }
0x21: {  	v3 =	vadd.s32 v1, v3  }
0x22: {  	[tilespmem:s24], [sflag:$0x1] =	stream.indirect_vreg.gather [hbm4b:s5+s2], $0x80, v4, vm0, $0xb8;
	[tilespmem:$0x10200] =	vst v63  }
0x23: {  	_ = 	snop  }
0x24: {  	[tilespmem:s26], [sflag:$0x1] =	stream.indirect_vreg.gather [hbm4b:s6+s2], $0x80, v4, vm0, $0xb8;
	[tilespmem:$0x10200] =	vst v63  }
0x25: {  	_ = 	snop  }
0x26: {  	[tilespmem:s28], [sflag:$0x1] =	stream.indirect_vreg.gather [hbm4b:s3+s2], $0x80, v3, vm0, $0xb8;
	[tilespmem:$0x10200] =	vst v63  }
0x27: {  	_ = 	snop  }
0x28: {  	[tilespmem:s29], [sflag:$0x1] =	stream.indirect_vreg.gather [hbm4b:s4+s2], $0x80, v3, vm0, $0xb8;
	[tilespmem:$0x10200] =	vst v63  }
0x29: {  	_ = 	snop  }
0x2a: {  	[tilespmem:s30], [sflag:$0x1] =	stream.indirect_vreg.gather [hbm4b:s5+s2], $0x80, v3, vm0, $0xb8;
	[tilespmem:$0x10200] =	vst v63  }
0x2b: {  	_ = 	snop  }
0x2c: {  	[tilespmem:s31], [sflag:$0x1] =	stream.indirect_vreg.gather [hbm4b:s6+s2], $0x80, v3, vm0, $0xb8;
	[tilespmem:$0x10200] =	vst v63  }
0x2d: {  	v3 =	vld [tilespmem:$0x10];
	_ =	sdelay $0x4  }
0x2e: {  	v57 =	vshll.u32 v3, $0x3  }
0x2f: {  	v3 =	vand.u32 $0x7, v3;
	v4 =	vand.u32 $0xFFFFFFC0, v57  }
0x30: {  	v3 =	vor.u32 v3, v4  }
0x31: {  	v4 =	vperm.xlane v3, v0;
	_ =	sdelay $0x1  }
0x32: {  	v4 =	vadd.s32 v1, v4;
	_ =	sdelay $0x3  }
0x33: {  	s0 =	simm.s32 $0x4200  }
0x34: {  	[tilespmem:s0], [sflag:$0x1] =	stream.indirect_vreg.gather [hbm4b:s3+s2], $0x80, v4, vm0, $0xb8;
	[tilespmem:$0x10200] =	vst v63  }
0x35: {  	v3 =	vperm.xlane v3, v2  }
0x36: {  	[tilespmem:s1], [sflag:$0x1] =	stream.indirect_vreg.gather [hbm4b:s4+s2], $0x80, v4, vm0, $0xb8;
	[tilespmem:$0x10200] =	vst v63  }
0x37: {  	v3 =	vadd.s32 v1, v3  }
0x38: {  	[tilespmem:s10], [sflag:$0x1] =	stream.indirect_vreg.gather [hbm4b:s5+s2], $0x80, v4, vm0, $0xb8;
	[tilespmem:$0x10200] =	vst v63  }
0x39: {  	_ = 	snop  }
0x3a: {  	[tilespmem:s11], [sflag:$0x1] =	stream.indirect_vreg.gather [hbm4b:s6+s2], $0x80, v4, vm0, $0xb8;
	[tilespmem:$0x10200] =	vst v63  }
0x3b: {  	_ = 	snop  }
0x3c: {  	[tilespmem:s12], [sflag:$0x1] =	stream.indirect_vreg.gather [hbm4b:s3+s2], $0x80, v3, vm0, $0xb8;
	[tilespmem:$0x10200] =	vst v63  }
0x3d: {  	_ = 	snop  }
0x3e: {  	[tilespmem:s13], [sflag:$0x1] =	stream.indirect_vreg.gather [hbm4b:s4+s2], $0x80, v3, vm0, $0xb8;
	[tilespmem:$0x10200] =	vst v63  }
0x3f: {  	_ = 	snop  }
0x40: {  	[tilespmem:s14], [sflag:$0x1] =	stream.indirect_vreg.gather [hbm4b:s5+s2], $0x80, v3, vm0, $0xb8;
	[tilespmem:$0x10200] =	vst v63  }
0x41: {  	_ = 	snop  }
0x42: {  	[tilespmem:s15], [sflag:$0x1] =	stream.indirect_vreg.gather [hbm4b:s6+s2], $0x80, v3, vm0, $0xb8;
	[tilespmem:$0x10200] =	vst v63  }
0x43: {  	v3 =	vld [tilespmem:$0x80];
	_ =	sdelay $0x4  }
0x44: {  	v58 =	vshll.u32 v3, $0x3  }
0x45: {  	v3 =	vand.u32 $0x7, v3;
	v4 =	vand.u32 $0xFFFFFFC0, v58  }
0x46: {  	v3 =	vor.u32 v3, v4  }
0x47: {  	v4 =	vperm.xlane v3, v0;
	_ =	sdelay $0x1  }
0x48: {  	v4 =	vadd.s32 v1, v4;
	_ =	sdelay $0x4  }
0x49: {  	[tilespmem:s18], [sflag:$0x2] =	stream.indirect_vreg.gather [hbm4b:s3+s2], $0x80, v4, vm0, $0xb8;
	[tilespmem:$0x10200] =	vst v63  }
0x4a: {  	v3 =	vperm.xlane v3, v2  }
0x4b: {  	[tilespmem:s16], [sflag:$0x2] =	stream.indirect_vreg.gather [hbm4b:s4+s2], $0x80, v4, vm0, $0xb8;
	[tilespmem:$0x10200] =	vst v63  }
0x4c: {  	v3 =	vadd.s32 v1, v3  }
0x4d: {  	[tilespmem:s17], [sflag:$0x2] =	stream.indirect_vreg.gather [hbm4b:s5+s2], $0x80, v4, vm0, $0xb8;
	[tilespmem:$0x10200] =	vst v63  }
0x4e: {  	s9 =	simm.s32 $0x9A00  }
0x4f: {  	[tilespmem:s9], [sflag:$0x2] =	stream.indirect_vreg.gather [hbm4b:s6+s2], $0x80, v4, vm0, $0xb8;
	[tilespmem:$0x10200] =	vst v63  }
0x50: {  	s9 =	simm.s32 $0xA200  }
0x51: {  	[tilespmem:s9], [sflag:$0x2] =	stream.indirect_vreg.gather [hbm4b:s3+s2], $0x80, v3, vm0, $0xb8;
	[tilespmem:$0x10200] =	vst v63  }
0x52: {  	s22 =	simm.s32 $0xAA00  }
0x53: {  	[tilespmem:s22], [sflag:$0x2] =	stream.indirect_vreg.gather [hbm4b:s4+s2], $0x80, v3, vm0, $0xb8;
	[tilespmem:$0x10200] =	vst v63  }
0x54: {  	s22 =	simm.s32 $0xB200  }
0x55: {  	[tilespmem:s22], [sflag:$0x2] =	stream.indirect_vreg.gather [hbm4b:s5+s2], $0x80, v3, vm0, $0xb8;
	[tilespmem:$0x10200] =	vst v63  }
0x56: {  	s22 =	simm.s32 $0xBA00  }
0x57: {  	[tilespmem:s22], [sflag:$0x2] =	stream.indirect_vreg.gather [hbm4b:s6+s2], $0x80, v3, vm0, $0xb8;
	[tilespmem:$0x10200] =	vst v63  }
0x58: {  	v3 =	vld [tilespmem:$0x90];
	_ =	sdelay $0x4  }
0x59: {  	v59 =	vshll.u32 v3, $0x3  }
0x5a: {  	v3 =	vand.u32 $0x7, v3;
	v4 =	vand.u32 $0xFFFFFFC0, v59  }
0x5b: {  	v3 =	vor.u32 v3, v4  }
0x5c: {  	v4 =	vperm.xlane v3, v0;
	_ =	sdelay $0x1  }
0x5d: {  	v4 =	vadd.s32 v1, v4;
	_ =	sdelay $0x3  }
0x5e: {  	s22 =	simm.s32 $0xC200  }
0x5f: {  	[tilespmem:s22], [sflag:$0x2] =	stream.indirect_vreg.gather [hbm4b:s3+s2], $0x80, v4, vm0, $0xb8;
	[tilespmem:$0x10200] =	vst v63  }
0x60: {  	v3 =	vperm.xlane v3, v2;
	s22 =	simm.s32 $0xCA00  }
0x61: {  	[tilespmem:s22], [sflag:$0x2] =	stream.indirect_vreg.gather [hbm4b:s4+s2], $0x80, v4, vm0, $0xb8;
	[tilespmem:$0x10200] =	vst v63  }
0x62: {  	v3 =	vadd.s32 v1, v3;
	s22 =	simm.s32 $0xD200  }
0x63: {  	[tilespmem:s22], [sflag:$0x2] =	stream.indirect_vreg.gather [hbm4b:s5+s2], $0x80, v4, vm0, $0xb8;
	[tilespmem:$0x10200] =	vst v63  }
0x64: {  	s22 =	simm.s32 $0xDA00  }
0x65: {  	[tilespmem:s22], [sflag:$0x2] =	stream.indirect_vreg.gather [hbm4b:s6+s2], $0x80, v4, vm0, $0xb8;
	[tilespmem:$0x10200] =	vst v63  }
0x66: {  	s22 =	simm.s32 $0xE200  }
0x67: {  	[tilespmem:s22], [sflag:$0x2] =	stream.indirect_vreg.gather [hbm4b:s3+s2], $0x80, v3, vm0, $0xb8;
	[tilespmem:$0x10200] =	vst v63  }
0x68: {  	s22 =	simm.s32 $0xEA00  }
0x69: {  	[tilespmem:s22], [sflag:$0x2] =	stream.indirect_vreg.gather [hbm4b:s4+s2], $0x80, v3, vm0, $0xb8;
	[tilespmem:$0x10200] =	vst v63  }
0x6a: {  	s22 =	simm.s32 $0xF200  }
0x6b: {  	[tilespmem:s22], [sflag:$0x2] =	stream.indirect_vreg.gather [hbm4b:s5+s2], $0x80, v3, vm0, $0xb8;
	[tilespmem:$0x10200] =	vst v63  }
0x6c: {  	s22 =	simm.s32 $0xFA00  }
0x6d: {  	[tilespmem:s22], [sflag:$0x2] =	stream.indirect_vreg.gather [hbm4b:s6+s2], $0x80, v3, vm0, $0xb8;
	[tilespmem:$0x10200] =	vst v63  }
0x6e: {  	_ =	swait.ge [sflag:s8], $0x8000  }
0x6f: {  	[sflag:s8] =	ssyncset.done $0x0  }
0x70: {  	s22 =	rddreg [dreg:$0x3];
	[sflag:s8] =	ssyncadd.s32 $0xFFFF8000  }
0x71: {  	[hbm4b:s22+s2] =	stream.linear.scatter [tilespmem:s25], [sflag:$0x3], $0x8000, $0x38;
	[tilespmem:$0x10200] =	vst v63  }
0x72: {  	_ =	swait.ge [sflag:s19], $0x8000  }
0x73: {  	[sflag:s19] =	ssyncset.done $0x0  }
0x74: {  	[sflag:s19] =	ssyncadd.s32 $0xFFFF8000  }
0x75: {  	v3 =	vld [tilespmem:$0x100];
	_ =	sdelay $0x4  }
0x76: {  	v60 =	vshll.u32 v3, $0x3  }
0x77: {  	v3 =	vand.u32 $0x7, v3;
	v4 =	vand.u32 $0xFFFFFFC0, v60  }
0x78: {  	v3 =	vor.u32 v3, v4  }
0x79: {  	v4 =	vperm.xlane v3, v0;
	_ =	sdelay $0x1  }
0x7a: {  	v4 =	vadd.s32 v1, v4;
	_ =	sdelay $0x4  }
0x7b: {  	[tilespmem:s25], [sflag:$0x1] =	stream.indirect_vreg.gather [hbm4b:s3+s2], $0x80, v4, vm0, $0xb8;
	[tilespmem:$0x10200] =	vst v63  }
0x7c: {  	v3 =	vperm.xlane v3, v2  }
0x7d: {  	[tilespmem:s23], [sflag:$0x1] =	stream.indirect_vreg.gather [hbm4b:s4+s2], $0x80, v4, vm0, $0xb8;
	[tilespmem:$0x10200] =	vst v63  }
0x7e: {  	v3 =	vadd.s32 v1, v3  }
0x7f: {  	[tilespmem:s24], [sflag:$0x1] =	stream.indirect_vreg.gather [hbm4b:s5+s2], $0x80, v4, vm0, $0xb8;
	[tilespmem:$0x10200] =	vst v63  }
0x80: {  	_ = 	snop  }
0x81: {  	[tilespmem:s26], [sflag:$0x1] =	stream.indirect_vreg.gather [hbm4b:s6+s2], $0x80, v4, vm0, $0xb8;
	[tilespmem:$0x10200] =	vst v63  }
0x82: {  	_ = 	snop  }
0x83: {  	[tilespmem:s28], [sflag:$0x1] =	stream.indirect_vreg.gather [hbm4b:s3+s2], $0x80, v3, vm0, $0xb8;
	[tilespmem:$0x10200] =	vst v63  }
0x84: {  	_ = 	snop  }
0x85: {  	[tilespmem:s29], [sflag:$0x1] =	stream.indirect_vreg.gather [hbm4b:s4+s2], $0x80, v3, vm0, $0xb8;
	[tilespmem:$0x10200] =	vst v63  }
0x86: {  	_ = 	snop  }
0x87: {  	[tilespmem:s30], [sflag:$0x1] =	stream.indirect_vreg.gather [hbm4b:s5+s2], $0x80, v3, vm0, $0xb8;
	[tilespmem:$0x10200] =	vst v63  }
0x88: {  	_ = 	snop  }
0x89: {  	[tilespmem:s31], [sflag:$0x1] =	stream.indirect_vreg.gather [hbm4b:s6+s2], $0x80, v3, vm0, $0xb8;
	[tilespmem:$0x10200] =	vst v63  }
0x8a: {  	v3 =	vld [tilespmem:$0x110];
	_ =	sdelay $0x4  }
0x8b: {  	v61 =	vshll.u32 v3, $0x3  }
0x8c: {  	v3 =	vand.u32 $0x7, v3;
	v4 =	vand.u32 $0xFFFFFFC0, v61  }
0x8d: {  	v3 =	vor.u32 v3, v4  }
0x8e: {  	v4 =	vperm.xlane v3, v0;
	_ =	sdelay $0x1  }
0x8f: {  	v4 =	vadd.s32 v1, v4;
	_ =	sdelay $0x4  }
0x90: {  	[tilespmem:s0], [sflag:$0x1] =	stream.indirect_vreg.gather [hbm4b:s3+s2], $0x80, v4, vm0, $0xb8;
	[tilespmem:$0x10200] =	vst v63  }
0x91: {  	v3 =	vperm.xlane v3, v2  }
0x92: {  	[tilespmem:s1], [sflag:$0x1] =	stream.indirect_vreg.gather [hbm4b:s4+s2], $0x80, v4, vm0, $0xb8;
	[tilespmem:$0x10200] =	vst v63  }
0x93: {  	v3 =	vadd.s32 v1, v3  }
0x94: {  	[tilespmem:s10], [sflag:$0x1] =	stream.indirect_vreg.gather [hbm4b:s5+s2], $0x80, v4, vm0, $0xb8;
	[tilespmem:$0x10200] =	vst v63  }
0x95: {  	_ = 	snop  }
0x96: {  	[tilespmem:s11], [sflag:$0x1] =	stream.indirect_vreg.gather [hbm4b:s6+s2], $0x80, v4, vm0, $0xb8;
	[tilespmem:$0x10200] =	vst v63  }
0x97: {  	_ = 	snop  }
0x98: {  	[tilespmem:s12], [sflag:$0x1] =	stream.indirect_vreg.gather [hbm4b:s3+s2], $0x80, v3, vm0, $0xb8;
	[tilespmem:$0x10200] =	vst v63  }
0x99: {  	_ = 	snop  }
0x9a: {  	[tilespmem:s13], [sflag:$0x1] =	stream.indirect_vreg.gather [hbm4b:s4+s2], $0x80, v3, vm0, $0xb8;
	[tilespmem:$0x10200] =	vst v63  }
0x9b: {  	_ = 	snop  }
0x9c: {  	[tilespmem:s14], [sflag:$0x1] =	stream.indirect_vreg.gather [hbm4b:s5+s2], $0x80, v3, vm0, $0xb8;
	[tilespmem:$0x10200] =	vst v63  }
0x9d: {  	_ = 	snop  }
0x9e: {  	[tilespmem:s15], [sflag:$0x1] =	stream.indirect_vreg.gather [hbm4b:s6+s2], $0x80, v3, vm0, $0xb8;
	[tilespmem:$0x10200] =	vst v63  }
0x9f: {  	_ =	swait.ge [sflag:s20], $0x8000  }
0xa0: {  	[sflag:s20] =	ssyncset.done $0x0  }
0xa1: {  	s0 =	rddreg [dreg:$0x4];
	[sflag:s20] =	ssyncadd.s32 $0xFFFF8000  }
0xa2: {  	[hbm4b:s0+s2] =	stream.linear.scatter [tilespmem:s18], [sflag:$0x4], $0x8000, $0x38;
	[tilespmem:$0x10200] =	vst v63  }
0xa3: {  	_ =	swait.ge [sflag:s21], $0x8000  }
0xa4: {  	[sflag:s21] =	ssyncset.done $0x0  }
0xa5: {  	[sflag:s21] =	ssyncadd.s32 $0xFFFF8000  }
0xa6: {  	v3 =	vld [tilespmem:$0x180];
	_ =	sdelay $0x4  }
0xa7: {  	v62 =	vshll.u32 v3, $0x3  }
0xa8: {  	v3 =	vand.u32 $0x7, v3;
	v4 =	vand.u32 $0xFFFFFFC0, v62  }
0xa9: {  	v3 =	vor.u32 v3, v4  }
0xaa: {  	v4 =	vperm.xlane v3, v0;
	_ =	sdelay $0x1  }
0xab: {  	v4 =	vadd.s32 v1, v4;
	_ =	sdelay $0x4  }
0xac: {  	[tilespmem:s18], [sflag:$0x2] =	stream.indirect_vreg.gather [hbm4b:s3+s2], $0x80, v4, vm0, $0xb8;
	[tilespmem:$0x10200] =	vst v63  }
0xad: {  	v3 =	vperm.xlane v3, v2  }
0xae: {  	[tilespmem:s16], [sflag:$0x2] =	stream.indirect_vreg.gather [hbm4b:s4+s2], $0x80, v4, vm0, $0xb8;
	[tilespmem:$0x10200] =	vst v63  }
0xaf: {  	v3 =	vadd.s32 v1, v3  }
0xb0: {  	[tilespmem:s17], [sflag:$0x2] =	stream.indirect_vreg.gather [hbm4b:s5+s2], $0x80, v4, vm0, $0xb8;
	[tilespmem:$0x10200] =	vst v63  }
0xb1: {  	s22 =	simm.s32 $0x9A00  }
0xb2: {  	[tilespmem:s22], [sflag:$0x2] =	stream.indirect_vreg.gather [hbm4b:s6+s2], $0x80, v4, vm0, $0xb8;
	[tilespmem:$0x10200] =	vst v63  }
0xb3: {  	_ = 	snop  }
0xb4: {  	[tilespmem:s9], [sflag:$0x2] =	stream.indirect_vreg.gather [hbm4b:s3+s2], $0x80, v3, vm0, $0xb8;
	[tilespmem:$0x10200] =	vst v63  }
0xb5: {  	s22 =	simm.s32 $0xAA00  }
0xb6: {  	[tilespmem:s22], [sflag:$0x2] =	stream.indirect_vreg.gather [hbm4b:s4+s2], $0x80, v3, vm0, $0xb8;
	[tilespmem:$0x10200] =	vst v63  }
0xb7: {  	s9 =	simm.s32 $0xB200  }
0xb8: {  	[tilespmem:s9], [sflag:$0x2] =	stream.indirect_vreg.gather [hbm4b:s5+s2], $0x80, v3, vm0, $0xb8;
	[tilespmem:$0x10200] =	vst v63  }
0xb9: {  	s22 =	simm.s32 $0xBA00  }
0xba: {  	[tilespmem:s22], [sflag:$0x2] =	stream.indirect_vreg.gather [hbm4b:s6+s2], $0x80, v3, vm0, $0xb8;
	[tilespmem:$0x10200] =	vst v63  }
0xbb: {  	v3 =	vld [tilespmem:$0x190];
	_ =	sdelay $0x4  }
0xbc: {  	v63 =	vshll.u32 v3, $0x3  }
0xbd: {  	v3 =	vand.u32 $0x7, v3;
	v4 =	vand.u32 $0xFFFFFFC0, v63  }
0xbe: {  	v3 =	vor.u32 v3, v4  }
0xbf: {  	v4 =	vperm.xlane v3, v0;
	_ =	sdelay $0x1  }
0xc0: {  	v4 =	vadd.s32 v1, v4;
	_ =	sdelay $0x3  }
0xc1: {  	s9 =	simm.s32 $0xC200  }
0xc2: {  	[tilespmem:s9], [sflag:$0x2] =	stream.indirect_vreg.gather [hbm4b:s3+s2], $0x80, v4, vm0, $0xb8;
	[tilespmem:$0x10200] =	vst v63  }
0xc3: {  	s22 =	simm.s32 $0xCA00;
	v3 =	vperm.xlane v3, v2  }
0xc4: {  	[tilespmem:s22], [sflag:$0x2] =	stream.indirect_vreg.gather [hbm4b:s4+s2], $0x80, v4, vm0, $0xb8;
	[tilespmem:$0x10200] =	vst v63  }
0xc5: {  	v3 =	vadd.s32 v1, v3;
	s9 =	simm.s32 $0xD200  }
0xc6: {  	[tilespmem:s9], [sflag:$0x2] =	stream.indirect_vreg.gather [hbm4b:s5+s2], $0x80, v4, vm0, $0xb8;
	[tilespmem:$0x10200] =	vst v63  }
0xc7: {  	s22 =	simm.s32 $0xDA00  }
0xc8: {  	[tilespmem:s22], [sflag:$0x2] =	stream.indirect_vreg.gather [hbm4b:s6+s2], $0x80, v4, vm0, $0xb8;
	[tilespmem:$0x10200] =	vst v63  }
0xc9: {  	s9 =	simm.s32 $0xE200  }
0xca: {  	[tilespmem:s9], [sflag:$0x2] =	stream.indirect_vreg.gather [hbm4b:s3+s2], $0x80, v3, vm0, $0xb8;
	[tilespmem:$0x10200] =	vst v63  }
0xcb: {  	s22 =	simm.s32 $0xEA00  }
0xcc: {  	[tilespmem:s22], [sflag:$0x2] =	stream.indirect_vreg.gather [hbm4b:s4+s2], $0x80, v3, vm0, $0xb8;
	[tilespmem:$0x10200] =	vst v63  }
0xcd: {  	s9 =	simm.s32 $0xF200  }
0xce: {  	[tilespmem:s9], [sflag:$0x2] =	stream.indirect_vreg.gather [hbm4b:s5+s2], $0x80, v3, vm0, $0xb8;
	[tilespmem:$0x10200] =	vst v63  }
0xcf: {  	s22 =	simm.s32 $0xFA00  }
0xd0: {  	[tilespmem:s22], [sflag:$0x2] =	stream.indirect_vreg.gather [hbm4b:s6+s2], $0x80, v3, vm0, $0xb8;
	[tilespmem:$0x10200] =	vst v63  }
0xd1: {  	_ =	swait.ge [sflag:s8], $0x8000  }
0xd2: {  	[sflag:s8] =	ssyncset.done $0x0  }
0xd3: {  	s0 =	rddreg [dreg:$0x5];
	[sflag:s8] =	ssyncadd.s32 $0xFFFF8000  }
0xd4: {  	[hbm4b:s0+s2] =	stream.linear.scatter [tilespmem:s25], [sflag:$0x3], $0x8000, $0x38;
	[tilespmem:$0x10200] =	vst v63  }
0xd5: {  	_ =	swait.ge [sflag:s19], $0x8000  }
0xd6: {  	[sflag:s19] =	ssyncset.done $0x0  }
0xd7: {  	[sflag:s19] =	ssyncadd.s32 $0xFFFF8000  }
0xd8: {  	_ =	swait.ge [sflag:s20], $0x8000  }
0xd9: {  	p0 =	sne.s32 s7, $0x1;
	[sflag:s20] =	ssyncset.done $0x0  }
.Ltmp0:
0xda: {  	s9 =	rddreg [dreg:$0x6];
	[sflag:s20] =	ssyncadd.s32 $0xFFFF8000;
	(pc) =	sbr.rel @p0 .LBB2_1-.Ltmp0, $4  }
0xdb: {  	[hbm4b:s9+s2] =	stream.linear.scatter [tilespmem:s18], [sflag:$0x4], $0x8000, $0x38;
	[tilespmem:$0x10200] =	vst v63  }
0xdc: {  	_ =	swait.ge [sflag:s21], $0x8000  }
0xdd: {  	[sflag:s21] =	ssyncset.done $0x0  }
0xde: {  	s7 =	sadd.s32 $0xFFFFFFFF, s7;
	[sflag:s21] =	ssyncadd.s32 $0xFFFF8000  }
0xdf: {  	_ =	sfence.sel $0x180000  }
0xe0: {  	[bflag:$0x0] =	sbarrier.arrive $0xFFFF  }
0xe1: {  	_ =	strace $0x9000004A  }
0xe2: {  	s0 =	stileid.u32;
	[bflag:$0x2] =	sbarrier.arrive $0xFFFF  }
0xe3: {  	p0 =	sne.s32 s0, $0x0;
	s0 =	rddreg [dreg:$0x1]  }
0xe4: {  	s0 =	sadd.s32 @!p0 $0x100000, s0  }
0xe5: {  	[sflag:s0] =	ssyncadd.tile.s32 @!p0 $0x1;
	_ =	shalt  }
.Lfunc_end2:
_tile_overlayer_lowered:
.L_overlay_start_2:
0xe6: {  	(tag) =	ssettag $0x2  }
0xe7: {  	s0 =	rddreg [dreg:$0x0];
	s2 =	stileid.u32  }
0xe8: {  	s1 =	rddreg [dreg:$0x1];
	p0 =	sne.s32 s2, $0x0  }
0xe9: {  	s3 =	rddreg [dreg:$0x2];
	[bflag:$0x3] =	sbarrier.arrive $0xFFFF;
	s2 =	simm.s32 @!p0 $0x1C05  }
0xea: {  	[timem:s3], [sflag:s2] =	dma.local @!p0 [hbm:s0], s1  }
0xeb: {  	s0 =	simm.s32 @!p0 $0x5  }
0xec: {  	_ =	swait.ge @!p0 [sflag:s0], s1  }
0xed: {  	s1 =	ssub.s32 @!p0 $0x0, s1;
	[sflag:s0] =	ssyncset.done @!p0 $0x0  }
0xee: {  	[sflag:s0] =	ssyncadd.s32 @!p0 s1  }
0xef: {  	[bflag:$0x3] =	sbarrier.arrive $0xFFFF  }
0xf0: {  	_ =	shalt  }

// kernel: kernel.9.cloned.1.call-start
scs
__scs_entry_jumppad:
0x0: {  	(pc) =	sbr.rel $0x88, $3  }
0x1: {  	(tag) =	ssettag $0x0;
	lr =	simm.s32 $0x1  }
0x2: {  	[smem:$0x3F99] =	sst lr;
	_ =	strace $0xD0000000  }
0x3: {  	_ = 	snop  }
0x4: {  	_ = 	snop  }
0x5: {  	_ = 	snop  }
0x6: {  	_ = 	snop  }
0x7: {  	_ = 	snop  }
__scs_overlays_trampoline_lowered:
0x8: {  	[smem:$0x3FA8] =	sst s0  }
0x9: {  	[smem:$0x3FA9] =	sst s1  }
0xa: {  	[smem:$0x3FAA] =	sst s2  }
0xb: {  	[smem:$0x3FAB] =	sst s3  }
0xc: {  	[smem:$0x3FAC] =	sst s4  }
0xd: {  	[smem:$0x3FAD] =	sst s5  }
0xe: {  	[smem:$0x3FAE] =	sst s6  }
0xf: {  	[smem:$0x3FAF] =	sst s7  }
0x10: {  	[smem:$0x3FB0] =	sst s8  }
0x11: {  	[smem:$0x3FB1] =	sst s9;
	s0 =	simm.s32 @!p0 $0x0  }
0x12: {  	s1 =	sld [smem:$0x3F97];
	s0 =	simm.s32 @p0 $0x1  }
0x13: {  	[smem:$0x3FB2] =	sst s0;
	s0 =	simm.s32 @!p1 $0x0  }
0x14: {  	s2 =	sld [smem:$0x3F96];
	s0 =	simm.s32 @p1 $0x1  }
0x15: {  	[smem:$0x3FB3] =	sst s0;
	s0 =	simm.s32 @!p2 $0x0  }
0x16: {  	s3 =	sld [smem:$0x3FDB];
	s0 =	simm.s32 @p2 $0x1  }
0x17: {  	s4 =	simm.s32 $0x1BF5;
	[smem:$0x3FB5] =	sst s0  }
0x18: {  	s0 =	sld [smem:$0x3F98];
	_ =	swait.ge [sflag:s4], $0x0  }
0x19: {  	s7 =	sld [smem:$0x3F99]  }
0x1a: {  	s8 =	sadd.s32 $0xFFFFE003, lr  }
0x1b: {  	s9 =	sadd.s32 $0xFFFFFEF7, lr;
	s5 =	simm.s32 $0xFFFFFFFF;
	p2 =	slt.u32 s8, $0xFFFFF086  }
0x1c: {  	p1 =	slt.u32 s9, $0xF7A;
	s5 =	simm.s32 @!p2 $0x0  }
0x1d: {  	s5 =	simm.s32 @p1 $0x1;
	p0 =	seq.s32 s7, s2  }
0x1e: {  	s7 =	smul.u32 @!p0 $0xF7A, s2;
	p2 =	seq.s32 @!p0 s5, $0x0  }
0x1f: {  	s9 =	smul.u32 $0xF7A, s1;
	s8 =	simm.s32 @!p0 $0x1BF5;
	p2 =	por !p2, p0  }
0x20: {  	[sflag:s8] =	ssyncset.s32 @!p0 $0xFFFFF086;
	s6 =	sadd.s32 @!p0 s3, s7;
	s7 =	simm.s32 @!p0 $0x108  }
0x21: {  	s3 =	sadd.s32 s3, s9;
	s6 =	sadd.s32 @!p0 $0x88, s6;
	s7 =	simm.s32 @p2 $0x1082  }
0x22: {  	[simem:s7], [sflag:s8] =	dma.local @!p0 [hbm:s6], $0xF7A  }
0x23: {  	s9 =	sor.u32 $0xD0000000, s2;
	s6 =	simm.s32 $0x108;
	_ =	swait.ge @!p0 [sflag:s8], $0x0  }
0x24: {  	s3 =	sadd.s32 $0x88, s3;
	s6 =	simm.s32 @!p1 $0x1082;
	[sflag:s4] =	ssyncset.s32 $0xFFFFF086  }
0x25: {  	[simem:s6], [sflag:s4] =	dma.local [hbm:s3], $0xF7A  }
0x26: {  	[smem:$0x3F99] =	sst s1;
	(tag) =	ssettag s2;
	_ =	strace s9  }
0x27: {  	s1 =	sld [smem:$0x3FA9]  }
0x28: {  	s2 =	sld [smem:$0x3FAA]  }
0x29: {  	s4 =	sld [smem:$0x3FAC]  }
0x2a: {  	p0 =	seq.s32 s5, $0x0;
	s5 =	sld [smem:$0x3FAD]  }
0x2b: {  	s6 =	sld [smem:$0x3FAE]  }
0x2c: {  	s7 =	sld [smem:$0x3FAF]  }
0x2d: {  	s3 =	simm.s32 $0x108;
	s8 =	sld [smem:$0x3FB0]  }
0x2e: {  	s3 =	simm.s32 @!p0 $0x1082;
	s9 =	sld [smem:$0x3FB1]  }
0x2f: {  	lr =	sadd.s32 s0, s3;
	s0 =	sld [smem:$0x3FA8]  }
0x30: {  	s3 =	sld [smem:$0x3FAB]  }
0x31: {  	[smem:$0x3FB4] =	sst s10  }
0x32: {  	s10 =	sld [smem:$0x3FB2];
	_ =	sdelay $0x3  }
0x33: {  	p0 =	seq.s32 s10, $0x1;
	s10 =	sld [smem:$0x3FB4];
	_ =	sdelay $0x3  }
0x34: {  	[smem:$0x3FB4] =	sst s10  }
0x35: {  	s10 =	sld [smem:$0x3FB3];
	_ =	sdelay $0x3  }
0x36: {  	p1 =	seq.s32 s10, $0x1;
	s10 =	sld [smem:$0x3FB4];
	_ =	sdelay $0x3  }
0x37: {  	[smem:$0x3FB4] =	sst s10  }
0x38: {  	s10 =	sld [smem:$0x3FB5]  }
0x39: {  	_ = 	snop;
	(pc) =	sbr.ind lr, $3  }
0x3a: {  	_ = 	snop  }
0x3b: {  	_ = 	snop  }
0x3c: {  	p2 =	seq.s32 s10, $0x1;
	s10 =	sld [smem:$0x3FB4]  }
0x3d: {  	_ =	shalt  }
0x3e: {  	_ =	shalt  }
0x3f: {  	_ =	shalt  }
0x40: {  	_ =	shalt  }
0x41: {  	_ =	shalt  }
0x42: {  	_ =	shalt  }
0x43: {  	_ =	shalt  }
0x44: {  	_ =	shalt  }
0x45: {  	_ =	shalt  }
0x46: {  	_ =	shalt  }
0x47: {  	_ =	shalt  }
0x48: {  	_ =	shalt  }
0x49: {  	_ =	shalt  }
0x4a: {  	_ =	shalt  }
0x4b: {  	_ =	shalt  }
0x4c: {  	_ =	shalt  }
0x4d: {  	_ =	shalt  }
0x4e: {  	_ =	shalt  }
0x4f: {  	_ =	shalt  }
0x50: {  	_ =	shalt  }
0x51: {  	_ =	shalt  }
0x52: {  	_ =	shalt  }
0x53: {  	_ =	shalt  }
0x54: {  	_ =	shalt  }
0x55: {  	_ =	shalt  }
0x56: {  	_ =	shalt  }
0x57: {  	_ =	shalt  }
0x58: {  	_ =	shalt  }
0x59: {  	_ =	shalt  }
0x5a: {  	_ =	shalt  }
0x5b: {  	_ =	shalt  }
0x5c: {  	_ =	shalt  }
0x5d: {  	_ =	shalt  }
0x5e: {  	_ =	shalt  }
0x5f: {  	_ =	shalt  }
0x60: {  	_ =	shalt  }
0x61: {  	_ =	shalt  }
0x62: {  	_ =	shalt  }
0x63: {  	_ =	shalt  }
0x64: {  	_ =	shalt  }
0x65: {  	_ =	shalt  }
0x66: {  	_ =	shalt  }
0x67: {  	_ =	shalt  }
0x68: {  	_ =	shalt  }
0x69: {  	_ =	shalt  }
0x6a: {  	_ =	shalt  }
0x6b: {  	_ =	shalt  }
0x6c: {  	_ =	shalt  }
0x6d: {  	_ =	shalt  }
0x6e: {  	_ =	shalt  }
0x6f: {  	_ =	shalt  }
0x70: {  	_ =	shalt  }
0x71: {  	_ =	shalt  }
0x72: {  	_ =	shalt  }
0x73: {  	_ =	shalt  }
0x74: {  	_ =	shalt  }
0x75: {  	_ =	shalt  }
0x76: {  	_ =	shalt  }
0x77: {  	_ =	shalt  }
0x78: {  	_ =	shalt  }
0x79: {  	_ =	shalt  }
0x7a: {  	_ =	shalt  }
0x7b: {  	_ =	shalt  }
0x7c: {  	_ =	shalt  }
0x7d: {  	_ =	shalt  }
0x7e: {  	_ =	shalt  }
0x7f: {  	_ =	shalt  }
0x80: {  	_ =	shalt  }
0x81: {  	_ =	shalt  }
0x82: {  	_ =	shalt  }
0x83: {  	_ =	shalt  }
0x84: {  	_ =	shalt  }
0x85: {  	_ =	shalt  }
0x86: {  	_ =	shalt  }
0x87: {  	_ =	shalt  }
.Lfunc_end0:
.L_simem_size_0:
called_computation_lowered:
.L_overlay_start_0:
0x88: {  	s2 =	sld [smem:$0x3FD9]  }
0x89: {  	s3 =	sld [smem:$0x3FFE];
	_ =	sdelay $0x1  }
0x8a: {  	s1 =	srdreg.scid  }
0x8b: {  	s0 =	sand.u32 $0x1, s1  }
0x8c: {  	s17 =	sshll.u32 s0, $0xA;
	s2 =	sadd.s32 s3, s2  }
0x8d: {  	s2 =	sadd.s32 s2, s17  }
0x8e: {  	[smem:$0x3FC0] =	sst s2  }
0x8f: {  	_ = 	snop  }
0x90: {  	s2 =	sld [smem:$0x3FC9];
	(tm) =	ssettm $0x1  }
0x91: {  	s18 =	sld [smem:$0x3FFB];
	_ =	sdelay $0x3  }
0x92: {  	_ =	strace s18  }
0x93: {  	s3 =	sld [smem:$0x3FFC];
	_ =	sdelay $0x3  }
0x94: {  	_ =	strace s3  }
0x95: {  	s3 =	sld [smem:$0x3FFD];
	_ =	sdelay $0x3  }
0x96: {  	_ =	strace s3  }
0x97: {  	_ =	strace $0x8FFFFFFF  }
0x98: {  	s19 =	sld [smem:$0x3FDB];
	_ =	sdelay $0x1  }
0x99: {  	s4 =	simm.s32 $_scs_section_size  }
0x9a: {  	s5 =	simm.s32 $_size__tile_overlayer_lowered;
	s6 =	simm.s32 $_tile_overlayer_lowered  }
0x9b: {  	s22 =	simm.s32 $0x1BFF;
	s21 =	sshll.u32 s6, $0x1;
	s3 =	sadd.s32 s4, s19  }
0x9c: {  	s7 =	simm.s32 $0x0;
	s20 =	sshll.u32 s5, $0x1;
	s5 =	sadd.s32 s21, s3  }
0x9d: {  	[timem:s7], [sflag:s22] =	dma.local [hbm:s5], s20  }
0x9e: {  	_ =	swait.ge [sflag:s22], s20  }
0x9f: {  	s4 =	ssub.s32 $0x0, s20;
	[sflag:s22] =	ssyncset.done $0x0  }
0xa0: {  	[sflag:s22] =	ssyncadd.s32 s4;
	_ =	sdelay $0x1  }
0xa1: {  	s23 =	simm.s32 $0x1B8B  }
0xa2: {  	_ =	swait.ge [sflag:s23], $0x1  }
0xa3: {  	[sflag:s23] =	ssyncset.done $0x0  }
0xa4: {  	s25 =	simm.s32 $0x1B8E;
	s24 =	sld [smem:$0x3FFE];
	[sflag:s23] =	ssyncadd.s32 $0xFFFFFFFF  }
0xa5: {  	s26 =	simm.s32 $execute0_lowered;
	[smem:$0x3FD2] =	sst s25  }
0xa6: {  	s5 =	sshll.u32 s26, $0x1;
	_ =	strace $0x80000046;
	[dreg:$0x1] =	wrdreg $0xFFFFFFFF  }
0xa7: {  	s28 =	simm.s32 $_size_execute0_lowered;
	s3 =	sadd.s32 s3, s5;
	[dreg:$0x0] =	wrdreg $0x0  }
0xa8: {  	s5 =	sshll.u32 s28, $0x1;
	[dreg:$0x2] =	wrdreg s3  }
0xa9: {  	[dreg:$0x3] =	wrdreg s5  }
0xaa: {  	[dreg:$0x4] =	wrdreg $0xC0  }
0xab: {  	_ =	task [dreg:s7], $0x5FFFF  }
0xac: {  	[dreg:$0x1] =	wrdreg $0xFFFFFFFF  }
0xad: {  	[dreg:$0x0] =	wrdreg $0x60  }
0xae: {  	[dreg:$0x2] =	wrdreg s2  }
0xaf: {  	[dreg:$0x3] =	wrdreg s24  }
0xb0: {  	[dreg:$0x4] =	wrdreg $0x9  }
0xb1: {  	_ =	task.clear_ibuf [dreg:s7], $0x5FFFF;
	_ =	strace $0x90000046  }
0xb2: {  	s29 =	simm.s32 $0x9;
	_ =	strace $0x80000048  }
0xb3: {  	_ =	swait.ge [sflag:s29], $0x1  }
0xb4: {  	[sflag:s29] =	ssyncadd.s32 $0xFFFFFFFF  }
0xb5: {  	_ =	strace $0x90000048  }
0xb6: {  	_ =	sfence  }
0xb7: {  	s30 =	sld [smem:$0x0];
	_ =	sdelay $0x2  }
0xb8: {  	s31 =	sshll.u32 s1, $0xD;
	s1 =	sshrl.u32 s1, $0x2  }
0xb9: {  	s3 =	sand.u32 $0x4000, s31;
	s1 =	sadd.s32 s1, s30  }
0xba: {  	s0 =	sor.u32 s3, s0;
	s1 =	sshll.u32 s1, $0x11  }
0xbb: {  	s0 =	sor.u32 s1, s0  }
0xbc: {  	s0 =	sadd.s32 $0x8F2B, s0  }
0xbd: {  	[sflag:s0] =	ssyncadd.remote.s32 $0x1  }
0xbe: {  	_ =	sfence.sel $0xFFFF  }
0xbf: {  	[dreg:$0x0] =	wrdreg $0xFFFFFFFF;
	(pc) =	sbr.abs _section_cstart, $3  }
0xc0: {  	[dreg:$0x1] =	wrdreg $0xFFFFFFFF  }
0xc1: {  	_ =	task.clear_ibuf [dreg:s7], $0x2FFFF;
	_ =	strace $0x9FFFFFFF  }
0xc2: {  	(tm) =	ssettm $0x7FFFFFFF  }
0xc3: {  	_ =	shalt  }
tec
execute0_lowered:
.L_overlay_start_1:
0x0: {  	(tag) =	ssettag $0x1  }
0x1: {  	s0 =	rddreg [dreg:$0x0]  }
0x2: {  	s1 =	rddreg [dreg:$0x1];
	s2 =	simm.s32 $0x0  }
0x3: {  	s3 =	srdreg.scid;
	s5 =	stileid.u32;
	s16 =	simm.s32 $0x8200  }
0x4: {  	s17 =	simm.s32 $0x1;
	s30 =	simm.s32 $0x4;
	s12 =	simm.s32 $0x0  }
0x5: {  	s13 =	simm.s32 $0x8A00;
	s14 =	simm.s32 $0x9200;
	s18 =	simm.s32 $0x9A00  }
0x6: {  	s19 =	simm.s32 $0xA200;
	s20 =	simm.s32 $0xAA00;
	s15 =	simm.s32 $0xB200  }
0x7: {  	s21 =	simm.s32 $0xBA00;
	s22 =	simm.s32 $0xC200;
	s28 =	simm.s32 $0xEA00  }
0x8: {  	s29 =	simm.s32 $0xF200;
	[smem:$0x7FF] =	sst s2;
	s4 =	sand.u32 $0x1, s3  }
0x9: {  	s23 =	sshll.u32 s5, $0x1;
	s3 =	sadd.s32 $0x800, s1;
	s26 =	sadd.s32 $0x1000, s0  }
0xa: {  	s8 =	sadd.s32 $0x900, s1;
	s9 =	sadd.s32 $0xA00, s1;
	s10 =	sadd.s32 $0xB00, s1  }
0xb: {  	_ =	strace $0x80000047;
	s5 =	sor.u32 s4, s23;
	s6 =	ssub.s32 $0x2, s4  }
0xc: {  	[dreg:$0x5] =	wrdreg s26;
	s23 =	simm.s32 $0xCA00;
	s26 =	simm.s32 $0xE200  }
0xd: {  	s24 =	sshll.u32 s5, $0xE;
	s7 =	sshrl.u32 s6, $0x1;
	s5 =	sshll.u32 s5, $0x6  }
0xe: {  	s4 =	sand.u32 $0x3C000, s24;
	s6 =	ssub.s32 s6, s7;
	s5 =	sadd.s32 s1, s5  }
0xf: {  	s7 =	simm.s32 $0x2;
	s24 =	simm.s32 $0xD200;
	[dreg:$0x3] =	wrdreg s5  }
0x10: {  	v2 =	vlaneseq.u32;
	s25 =	sadd.s32 s0, s4;
	s0 =	sadd.s32 $0x3000, s0;
	s31 =	smax.u32 s6, $0x1  }
0x11: {  	vm0 =	vmmov $0xffff;
	v1 =	vshrl.u32 v2, $0x3;
	s6 =	simm.s32 $0x200;
	s5 =	simm.s32 $0x3;
	[dreg:$0x4] =	wrdreg s25  }
0x12: {  	v0 =	vand.u32 $0x7, v2;
	v2 =	vor.u32 $0x8, v2;
	v1 =	vmul.u32 $0x8, v1;
	s11 =	sadd.s32 $0x2000, s25;
	[dreg:$0x6] =	wrdreg s31;
	s25 =	simm.s32 $0xDA00  }
.LBB2_1:
0x13: {  	[dreg:$0x7] =	wrdreg s12  }
0x14: {  	s1 =	rddreg [dreg:$0x3];
	s12 =	simm.s32 $0x5  }
0x15: {  	[tilespmem:s2], [sflag:$0x5] =	stream.linear.gather [hbm4b:s1+s2], $0x200, $0x38;
	[tilespmem:$0x10200] =	vst v63  }
0x16: {  	_ =	swait.ge [sflag:s12], $0x200  }
0x17: {  	[sflag:s12] =	ssyncset.done $0x0  }
0x18: {  	p1 =	por $0x1, $0x1;
	[sflag:s12] =	ssyncadd.s32 $0xFFFFFE00;
	s12 =	rddreg [dreg:$0x4]  }
0x19: {  	[tilespmem:s6], [sflag:$0x1] =	stream.linear.gather [hbm4b:s12+s2], $0x8000, $0x38;
	[tilespmem:$0x10200] =	vst v63  }
0x1a: {  	s31 =	simm.s32 $0x0;
	s12 =	rddreg [dreg:$0x5];
	s6 =	simm.s32 $0xFA00  }
.LBB2_2:
0x1b: {  	s12 =	sadd.s32 s4, s12  }
0x1c: {  	[tilespmem:s16], [sflag:$0x2] =	stream.linear.gather [hbm4b:s12+s2], $0x8000, $0x38;
	[tilespmem:$0x10200] =	vst v63  }
0x1d: {  	_ =	swait.ge [sflag:s17], $0x8000  }
0x1e: {  	[sflag:s17] =	ssyncset.done $0x0  }
0x1f: {  	s12 =	sshra.s32 s31, $0x2;
	[sflag:s17] =	ssyncadd.s32 $0xFFFF8000  }
0x20: {  	v3 =	vld [tilespmem:s12+$0x0];
	_ =	sdelay $0x4  }
0x21: {  	v4 =	vshll.u32 v3, $0x3  }
0x22: {  	v3 =	vand.u32 $0x7, v3;
	v4 =	vand.u32 $0xFFFFFFC0, v4  }
0x23: {  	v3 =	vor.u32 v3, v4  }
0x24: {  	v4 =	vperm.xlane v3, v0;
	_ =	sdelay $0x1  }
0x25: {  	v4 =	vadd.s32 v1, v4;
	_ =	sdelay $0x3  }
0x26: {  	s1 =	simm.s32 $0x200  }
0x27: {  	[hbm4b:s3+s2] =	stream.indirect_vreg.scatter [tilespmem:s1], [sflag:$0x3], $0x80, v4, vm0, $0xb8;
	[tilespmem:$0x10200] =	vst v63  }
0x28: {  	v3 =	vperm.xlane v3, v2;
	s1 =	simm.s32 $0xA00  }
0x29: {  	[hbm4b:s8+s2] =	stream.indirect_vreg.scatter [tilespmem:s1], [sflag:$0x3], $0x80, v4, vm0, $0xb8;
	[tilespmem:$0x10200] =	vst v63  }
0x2a: {  	v3 =	vadd.s32 v1, v3;
	s1 =	simm.s32 $0x1200  }
0x2b: {  	[hbm4b:s9+s2] =	stream.indirect_vreg.scatter [tilespmem:s1], [sflag:$0x3], $0x80, v4, vm0, $0xb8;
	[tilespmem:$0x10200] =	vst v63  }
0x2c: {  	s1 =	simm.s32 $0x1A00  }
0x2d: {  	[hbm4b:s10+s2] =	stream.indirect_vreg.scatter [tilespmem:s1], [sflag:$0x3], $0x80, v4, vm0, $0xb8;
	[tilespmem:$0x10200] =	vst v63  }
0x2e: {  	s1 =	simm.s32 $0x2200  }
0x2f: {  	[hbm4b:s3+s2] =	stream.indirect_vreg.scatter [tilespmem:s1], [sflag:$0x3], $0x80, v3, vm0, $0xb8;
	[tilespmem:$0x10200] =	vst v63  }
0x30: {  	s1 =	simm.s32 $0x2A00  }
0x31: {  	[hbm4b:s8+s2] =	stream.indirect_vreg.scatter [tilespmem:s1], [sflag:$0x3], $0x80, v3, vm0, $0xb8;
	[tilespmem:$0x10200] =	vst v63  }
0x32: {  	s1 =	simm.s32 $0x3200  }
0x33: {  	[hbm4b:s9+s2] =	stream.indirect_vreg.scatter [tilespmem:s1], [sflag:$0x3], $0x80, v3, vm0, $0xb8;
	[tilespmem:$0x10200] =	vst v63  }
0x34: {  	s1 =	simm.s32 $0x3A00  }
0x35: {  	[hbm4b:s10+s2] =	stream.indirect_vreg.scatter [tilespmem:s1], [sflag:$0x3], $0x80, v3, vm0, $0xb8;
	[tilespmem:$0x10200] =	vst v63  }
0x36: {  	v3 =	vld [tilespmem:s12+$0x10];
	_ =	sdelay $0x4  }
0x37: {  	v61 =	vshll.u32 v3, $0x3  }
0x38: {  	v3 =	vand.u32 $0x7, v3;
	v4 =	vand.u32 $0xFFFFFFC0, v61  }
0x39: {  	v3 =	vor.u32 v3, v4  }
0x3a: {  	v4 =	vperm.xlane v3, v0;
	_ =	sdelay $0x1  }
0x3b: {  	v4 =	vadd.s32 v1, v4;
	_ =	sdelay $0x3  }
0x3c: {  	s1 =	simm.s32 $0x4200  }
0x3d: {  	[hbm4b:s3+s2] =	stream.indirect_vreg.scatter [tilespmem:s1], [sflag:$0x3], $0x80, v4, vm0, $0xb8;
	[tilespmem:$0x10200] =	vst v63  }
0x3e: {  	v3 =	vperm.xlane v3, v2;
	s1 =	simm.s32 $0x4A00  }
0x3f: {  	[hbm4b:s8+s2] =	stream.indirect_vreg.scatter [tilespmem:s1], [sflag:$0x3], $0x80, v4, vm0, $0xb8;
	[tilespmem:$0x10200] =	vst v63  }
0x40: {  	v3 =	vadd.s32 v1, v3;
	s1 =	simm.s32 $0x5200  }
0x41: {  	[hbm4b:s9+s2] =	stream.indirect_vreg.scatter [tilespmem:s1], [sflag:$0x3], $0x80, v4, vm0, $0xb8;
	[tilespmem:$0x10200] =	vst v63  }
0x42: {  	s1 =	simm.s32 $0x5A00  }
0x43: {  	[hbm4b:s10+s2] =	stream.indirect_vreg.scatter [tilespmem:s1], [sflag:$0x3], $0x80, v4, vm0, $0xb8;
	[tilespmem:$0x10200] =	vst v63  }
0x44: {  	s1 =	simm.s32 $0x6200  }
0x45: {  	[hbm4b:s3+s2] =	stream.indirect_vreg.scatter [tilespmem:s1], [sflag:$0x3], $0x80, v3, vm0, $0xb8;
	[tilespmem:$0x10200] =	vst v63  }
0x46: {  	s1 =	simm.s32 $0x6A00  }
0x47: {  	[hbm4b:s8+s2] =	stream.indirect_vreg.scatter [tilespmem:s1], [sflag:$0x3], $0x80, v3, vm0, $0xb8;
	[tilespmem:$0x10200] =	vst v63  }
0x48: {  	s1 =	simm.s32 $0x7200  }
0x49: {  	[hbm4b:s9+s2] =	stream.indirect_vreg.scatter [tilespmem:s1], [sflag:$0x3], $0x80, v3, vm0, $0xb8;
	[tilespmem:$0x10200] =	vst v63  }
0x4a: {  	s1 =	simm.s32 $0x7A00  }
0x4b: {  	[hbm4b:s10+s2] =	stream.indirect_vreg.scatter [tilespmem:s1], [sflag:$0x3], $0x80, v3, vm0, $0xb8;
	[tilespmem:$0x10200] =	vst v63  }
0x4c: {  	_ =	swait.ge [sflag:s5], $0x8000  }
0x4d: {  	[sflag:s5] =	ssyncset.done $0x0  }
0x4e: {  	s31 =	simm.s32 @p1 $0x0;
	s1 =	simm.s32 @p1 $0x200;
	[sflag:s5] =	ssyncadd.s32 $0xFFFF8000  }
0x4f: {  	[tilespmem:s1], [sflag:$0x1] =	stream.linear.gather @p1 [hbm4b:s11+s31], $0x8000, $0x38;
	[tilespmem:$0x10200] =	vst v63  }
0x50: {  	_ =	swait.ge [sflag:s7], $0x8000  }
0x51: {  	[sflag:s7] =	ssyncset.done $0x0  }
0x52: {  	[sflag:s7] =	ssyncadd.s32 $0xFFFF8000  }
0x53: {  	v3 =	vld [tilespmem:s12+$0x80];
	_ =	sdelay $0x4  }
0x54: {  	v62 =	vshll.u32 v3, $0x3  }
0x55: {  	v3 =	vand.u32 $0x7, v3;
	v4 =	vand.u32 $0xFFFFFFC0, v62  }
0x56: {  	v3 =	vor.u32 v3, v4  }
0x57: {  	v4 =	vperm.xlane v3, v0;
	_ =	sdelay $0x1  }
0x58: {  	v4 =	vadd.s32 v1, v4;
	_ =	sdelay $0x4  }
0x59: {  	[hbm4b:s3+s2] =	stream.indirect_vreg.scatter [tilespmem:s16], [sflag:$0x4], $0x80, v4, vm0, $0xb8;
	[tilespmem:$0x10200] =	vst v63  }
0x5a: {  	v3 =	vperm.xlane v3, v2  }
0x5b: {  	[hbm4b:s8+s2] =	stream.indirect_vreg.scatter [tilespmem:s13], [sflag:$0x4], $0x80, v4, vm0, $0xb8;
	[tilespmem:$0x10200] =	vst v63  }
0x5c: {  	v3 =	vadd.s32 v1, v3  }
0x5d: {  	[hbm4b:s9+s2] =	stream.indirect_vreg.scatter [tilespmem:s14], [sflag:$0x4], $0x80, v4, vm0, $0xb8;
	[tilespmem:$0x10200] =	vst v63  }
0x5e: {  	_ = 	snop  }
0x5f: {  	[hbm4b:s10+s2] =	stream.indirect_vreg.scatter [tilespmem:s18], [sflag:$0x4], $0x80, v4, vm0, $0xb8;
	[tilespmem:$0x10200] =	vst v63  }
0x60: {  	_ = 	snop  }
0x61: {  	[hbm4b:s3+s2] =	stream.indirect_vreg.scatter [tilespmem:s19], [sflag:$0x4], $0x80, v3, vm0, $0xb8;
	[tilespmem:$0x10200] =	vst v63  }
0x62: {  	_ = 	snop  }
0x63: {  	[hbm4b:s8+s2] =	stream.indirect_vreg.scatter [tilespmem:s20], [sflag:$0x4], $0x80, v3, vm0, $0xb8;
	[tilespmem:$0x10200] =	vst v63  }
0x64: {  	_ = 	snop  }
0x65: {  	[hbm4b:s9+s2] =	stream.indirect_vreg.scatter [tilespmem:s15], [sflag:$0x4], $0x80, v3, vm0, $0xb8;
	[tilespmem:$0x10200] =	vst v63  }
0x66: {  	_ = 	snop  }
0x67: {  	[hbm4b:s10+s2] =	stream.indirect_vreg.scatter [tilespmem:s21], [sflag:$0x4], $0x80, v3, vm0, $0xb8;
	[tilespmem:$0x10200] =	vst v63  }
0x68: {  	v3 =	vld [tilespmem:s12+$0x90];
	_ =	sdelay $0x4  }
0x69: {  	v63 =	vshll.u32 v3, $0x3  }
0x6a: {  	v3 =	vand.u32 $0x7, v3;
	v4 =	vand.u32 $0xFFFFFFC0, v63  }
0x6b: {  	v3 =	vor.u32 v3, v4  }
0x6c: {  	v4 =	vperm.xlane v3, v0;
	_ =	sdelay $0x1  }
0x6d: {  	v4 =	vadd.s32 v1, v4;
	_ =	sdelay $0x4  }
0x6e: {  	[hbm4b:s3+s2] =	stream.indirect_vreg.scatter [tilespmem:s22], [sflag:$0x4], $0x80, v4, vm0, $0xb8;
	[tilespmem:$0x10200] =	vst v63  }
0x6f: {  	v3 =	vperm.xlane v3, v2  }
0x70: {  	[hbm4b:s8+s2] =	stream.indirect_vreg.scatter [tilespmem:s23], [sflag:$0x4], $0x80, v4, vm0, $0xb8;
	[tilespmem:$0x10200] =	vst v63  }
0x71: {  	v3 =	vadd.s32 v1, v3  }
0x72: {  	[hbm4b:s9+s2] =	stream.indirect_vreg.scatter [tilespmem:s24], [sflag:$0x4], $0x80, v4, vm0, $0xb8;
	[tilespmem:$0x10200] =	vst v63  }
0x73: {  	_ = 	snop  }
0x74: {  	[hbm4b:s10+s2] =	stream.indirect_vreg.scatter [tilespmem:s25], [sflag:$0x4], $0x80, v4, vm0, $0xb8;
	[tilespmem:$0x10200] =	vst v63  }
0x75: {  	_ = 	snop  }
0x76: {  	[hbm4b:s3+s2] =	stream.indirect_vreg.scatter [tilespmem:s26], [sflag:$0x4], $0x80, v3, vm0, $0xb8;
	[tilespmem:$0x10200] =	vst v63  }
0x77: {  	_ = 	snop  }
0x78: {  	[hbm4b:s8+s2] =	stream.indirect_vreg.scatter [tilespmem:s28], [sflag:$0x4], $0x80, v3, vm0, $0xb8;
	[tilespmem:$0x10200] =	vst v63  }
0x79: {  	p0 =	por p1, p1  }
0x7a: {  	[hbm4b:s9+s2] =	stream.indirect_vreg.scatter [tilespmem:s29], [sflag:$0x4], $0x80, v3, vm0, $0xb8;
	[tilespmem:$0x10200] =	vst v63  }
.Ltmp0:
0x7b: {  	_ = 	snop;
	(pc) =	sbr.rel @p0 .LBB2_2-.Ltmp0, $4  }
0x7c: {  	[hbm4b:s10+s2] =	stream.indirect_vreg.scatter [tilespmem:s6], [sflag:$0x4], $0x80, v3, vm0, $0xb8;
	[tilespmem:$0x10200] =	vst v63  }
0x7d: {  	_ =	swait.ge [sflag:s30], $0x8000  }
0x7e: {  	s31 =	simm.s32 $0x400;
	[sflag:s30] =	ssyncset.done $0x0  }
0x7f: {  	p1 =	por $0x0, $0x0;
	s12 =	smov.u32 s0;
	[sflag:s30] =	ssyncadd.s32 $0xFFFF8000  }
0x80: {  	s12 =	rddreg [dreg:$0x7]  }
0x81: {  	s1 =	rddreg [dreg:$0x6];
	s12 =	sadd.s32 $0x1, s12  }
0x82: {  	p0 =	sne.s32 s12, s1  }
.Ltmp1:
0x83: {  	_ = 	snop;
	(pc) =	sbr.rel @p0 .LBB2_1-.Ltmp1, $2  }
0x84: {  	_ =	sdelay $0x2  }
0x85: {  	s6 =	simm.s32 $0x200  }
0x86: {  	_ =	sfence.sel $0x180000  }
0x87: {  	[bflag:$0x0] =	sbarrier.arrive $0xFFFF  }
0x88: {  	_ =	strace $0x90000047  }
0x89: {  	s0 =	stileid.u32;
	[bflag:$0x2] =	sbarrier.arrive $0xFFFF  }
0x8a: {  	p0 =	sne.s32 s0, $0x0;
	s0 =	rddreg [dreg:$0x2]  }
0x8b: {  	s0 =	sadd.s32 @!p0 $0x100000, s0  }
0x8c: {  	[sflag:s0] =	ssyncadd.tile.s32 @!p0 $0x1;
	_ =	shalt  }
.Lfunc_end2:
_tile_overlayer_lowered:
.L_overlay_start_2:
0x8d: {  	(tag) =	ssettag $0x2  }
0x8e: {  	s0 =	rddreg [dreg:$0x0];
	s2 =	stileid.u32  }
0x8f: {  	s1 =	rddreg [dreg:$0x1];
	p0 =	sne.s32 s2, $0x0  }
0x90: {  	s3 =	rddreg [dreg:$0x2];
	[bflag:$0x3] =	sbarrier.arrive $0xFFFF;
	s2 =	simm.s32 @!p0 $0x1C05  }
0x91: {  	[timem:s3], [sflag:s2] =	dma.local @!p0 [hbm:s0], s1  }
0x92: {  	s0 =	simm.s32 @!p0 $0x5  }
0x93: {  	_ =	swait.ge @!p0 [sflag:s0], s1  }
0x94: {  	s1 =	ssub.s32 @!p0 $0x0, s1;
	[sflag:s0] =	ssyncset.done @!p0 $0x0  }
0x95: {  	[sflag:s0] =	ssyncadd.s32 @!p0 s1  }
0x96: {  	[bflag:$0x3] =	sbarrier.arrive $0xFFFF  }
0x97: {  	_ =	shalt  }

</sc_bundles>
